<compile_context>
chip_gen: v7x
topology: tpu7x:2x2x1
jax: 0.10.2.dev20260603
libtpu: 0.0.44.dev20260713+nightly
codegen_flags: <defaults>
</compile_context>

<pallas_src>
import functools

import jax
import jax.numpy as jnp
from jax import lax
from jax.experimental import pallas as pl
from jax.experimental.pallas import tpu as pltpu
from jax.experimental.pallas import tpu_sc as plsc

NUM_WORKERS = 32
ICH = 4096


def _split_lens(v):
    lo = (v // 2 + 1023) // 1024 * 1024
    him = (v - lo) // 128 * 128
    return lo, him


@functools.partial(jax.jit, static_argnames=("B", "F", "V", "D"))
def _lookup_mean(table_t, tail_t, idx_t, *, B, F, V, D):
    n_ich = B // ICH
    inv_f = jnp.float32(1.0 / F)
    LO, HIM = _split_lens(V)
    HI = V - LO
    LOQ = LO // 2
    HIQ1 = (HIM // 2 + 127) // 128 * 128
    HIQ2 = HIM - HIQ1
    PF = plsc.PackFormat.INTERLEAVED

    mesh = plsc.VectorSubcoreMesh(core_axis_name="c", subcore_axis_name="s")

    @functools.partial(
        pl.kernel,
        mesh=mesh,
        compiler_params=pltpu.CompilerParams(needs_layout_passes=False),
        out_type=jax.ShapeDtypeStruct((D, B), jnp.float32),
        scratch_types=[
            pltpu.VMEM((LO,), jnp.float32),
            pltpu.VMEM((HIM + 128,), jnp.float32),
            pltpu.VMEM((B // 2,), jnp.int32),
            pltpu.VMEM((n_ich, ICH), jnp.int32),
            pltpu.SemaphoreType.DMA,
            pltpu.SemaphoreType.DMA,
            pltpu.SemaphoreType.DMA,
        ],
    )
    def k(table_hbm, tail_hbm, idx_hbm, out_hbm, line_a, line_b, acc_v, idx_v,
          sem_a, sem_b, sem_i):
        d = lax.axis_index("s") * 2 + lax.axis_index("c")

        @plsc.parallel_loop(0, B // 32, unroll=8)
        def zero_body(i):
            acc_v[pl.ds(i * 16, 16)] = jnp.zeros((16,), jnp.int32)

        def fire_lo(f):
            for o, ln in ((0, LOQ), (LOQ, LOQ)):
                pltpu.async_copy(
                    table_hbm.at[f, d, pl.ds(o, ln)],
                    line_a.at[pl.ds(o, ln)], sem_a)

        def wait_lo():
            for o, ln in ((0, LOQ), (LOQ, LOQ)):
                pltpu.make_async_copy(
                    table_hbm.at[0, 0, pl.ds(o, ln)],
                    line_a.at[pl.ds(o, ln)], sem_a).wait()

        def fire_hi(f):
            for o, ln in ((0, HIQ1), (HIQ1, HIQ2)):
                pltpu.async_copy(
                    table_hbm.at[f, d, pl.ds(LO + o, ln)],
                    line_b.at[pl.ds(o, ln)], sem_b)
            pltpu.async_copy(
                tail_hbm.at[f, d], line_b.at[pl.ds(HIM, 128)], sem_b)

        def wait_hi():
            for o, ln in ((0, HIQ1), (HIQ1, HIQ2)):
                pltpu.make_async_copy(
                    table_hbm.at[0, 0, pl.ds(LO + o, ln)],
                    line_b.at[pl.ds(o, ln)], sem_b).wait()
            pltpu.make_async_copy(
                tail_hbm.at[0, 0], line_b.at[pl.ds(HIM, 128)], sem_b).wait()

        def fire_idx(f, c):
            pltpu.async_copy(
                idx_hbm.at[f, pl.ds(c * ICH, ICH)], idx_v.at[c], sem_i)

        def wait_idx(c):
            pltpu.make_async_copy(
                idx_hbm.at[0, pl.ds(0, ICH)], idx_v.at[c], sem_i).wait()

        def scan_chunk(line_ref, c, lo, ln):
            base = c * ICH
            lo_v = jnp.int32(lo)
            ln_v = jnp.int32(ln)

            @plsc.parallel_loop(0, ICH // 32, unroll=4)
            def gat(i):
                ids0 = idx_v[c, pl.ds(i * 32, 16)]
                ids1 = idx_v[c, pl.ds(i * 32 + 16, 16)]
                if lo == 0:
                    m0 = ids0 < ln_v
                    m1 = ids1 < ln_v
                    rel0, rel1 = ids0, ids1
                else:
                    rel0 = ids0 - lo_v
                    rel1 = ids1 - lo_v
                    m0 = plsc.bitcast(rel0, jnp.uint32) < jnp.uint32(ln)
                    m1 = plsc.bitcast(rel1, jnp.uint32) < jnp.uint32(ln)
                g0 = plsc.load_gather(line_ref, [rel0], mask=m0)
                g1 = plsc.load_gather(line_ref, [rel1], mask=m1)
                g0 = jnp.where(m0, g0, jnp.float32(0.0))
                g1 = jnp.where(m1, g1, jnp.float32(0.0))
                aw = acc_v[pl.ds(base // 2 + i * 16, 16)]
                a0, a1 = plsc.unpack(plsc.bitcast(aw, jnp.bfloat16),
                                     format=PF)
                acc_v[pl.ds(base // 2 + i * 16, 16)] = plsc.bitcast(
                    plsc.pack(a0 + g0, a1 + g1, format=PF), jnp.int32)

        def field_body(f, carry):
            wait_lo()
            for c in range(n_ich):
                wait_idx(c)
                scan_chunk(line_a, c, 0, LO)
            wait_hi()

            @pl.when(f < F - 1)
            def _():
                fire_lo(f + 1)

            for c in range(n_ich):
                scan_chunk(line_b, c, LO, HI)

                @pl.when(f < F - 1)
                def _():
                    fire_idx(f + 1, c)

            @pl.when(f < F - 1)
            def _():
                fire_hi(f + 1)

            return carry

        for c in range(n_ich):
            fire_idx(0, c)
        fire_lo(0)
        fire_hi(0)
        lax.fori_loop(0, F, field_body, 0)

        @plsc.parallel_loop(0, B // 32, unroll=4)
        def scale_body(i):
            a, b = plsc.unpack(
                plsc.bitcast(acc_v[pl.ds(i * 16, 16)], jnp.bfloat16),
                format=PF)
            line_a[pl.ds(i * 32, 16)] = a * inv_f
            line_a[pl.ds(i * 32 + 16, 16)] = b * inv_f

        pltpu.sync_copy(line_a.at[pl.ds(0, B)], out_hbm.at[d])

    return k(table_t, tail_t, idx_t)


def kernel(categorical_vars_tensor, tables):
    F, V, D = tables.shape
    B = categorical_vars_tensor.shape[0]
    idx_t = categorical_vars_tensor.astype(jnp.int32).T
    table_t = tables.transpose(0, 2, 1)
    LO, HIM = _split_lens(V)
    tail_t = jnp.pad(table_t[:, :, LO + HIM:],
                     ((0, 0), (0, 0), (0, 128 - (V - LO - HIM))))
    out_t = _lookup_mean(table_t, tail_t, idx_t, B=B, F=F, V=V, D=D)
    return out_t.T

# --- scband reference (transcript-rebuilt; emitter-appended) ---
"""Pipeline reference for scband-categorical-variable-net-83056077570081 (READ-ONLY COPY).

The authoritative reference and input builder live on the scoring server;
editing this copy changes nothing except your own understanding.
"""

import jax, jax.numpy as jnp
import numpy as np

NUM_FIELDS = 26
VOCAB = 100000
EMBED_DIM = 32
BATCH = 16384

def setup_inputs(seed: int = 0) -> dict:
    key = jax.random.key(seed)
    k_idx, k_tab = jax.random.split(key)
    categorical_vars_tensor = jax.random.randint(k_idx, (BATCH, NUM_FIELDS), 0, VOCAB, dtype=jnp.int64)
    # One embedding table per categorical field; all share (VOCAB, EMBED_DIM), stacked.
    tables = jax.random.normal(k_tab, (NUM_FIELDS, VOCAB, EMBED_DIM), dtype=jnp.float32)
    return {"categorical_vars_tensor": categorical_vars_tensor, "tables": tables}

def reference(categorical_vars_tensor, tables):
    # AVERAGE_AND_CONCAT path: per-field embedding lookup, then mean over fields.
    idx = categorical_vars_tensor.astype(jnp.int32)  # [B, F]
    # gather: tables[f][idx[:, f]] for each field f -> [F, B, D]
    gathered = jax.vmap(lambda table, ix: jnp.take(table, ix, axis=0))(tables, idx.T)
    x_combined = jnp.mean(gathered, axis=0)  # [B, D]
    return x_combined

if __name__ == "__main__":
    import jax
    _d = setup_inputs()
    print(jax.jit(kernel)(*tuple(_d.values())))

</pallas_src>

<mosaic_0001>
#map = affine_map<(d0, d1) -> (0, 0, 0)>
#map1 = affine_map<(d0, d1) -> (0, 0)>
#map2 = affine_map<(d0, d1) -> (0)>
module attributes {stable_mosaic.version = 14 : i64} {
  func.func @_rewritten_body(%arg0: i32, %arg1: i32, %arg2: memref<26x32x100000xf32, #tpu.memory_space<hbm>>, %arg3: memref<26x32x128xf32, #tpu.memory_space<hbm>>, %arg4: memref<26x16384xi32, #tpu.memory_space<hbm>>, %arg5: memref<1xf32, #tpu.memory_space<hbm>>, %arg6: memref<32x16384xf32, #tpu.memory_space<hbm>>, %arg7: memref<50176xf32, #tpu.memory_space<vmem>>, %arg8: memref<49920xf32, #tpu.memory_space<vmem>>, %arg9: memref<8192xi32, #tpu.memory_space<vmem>>, %arg10: memref<4x4096xi32, #tpu.memory_space<vmem>>, %arg11: memref<!tpu.dma_semaphore, #tpu.memory_space<semaphore_mem>>, %arg12: memref<!tpu.dma_semaphore, #tpu.memory_space<semaphore_mem>>, %arg13: memref<!tpu.dma_semaphore, #tpu.memory_space<semaphore_mem>>) attributes {dimension_semantics = [#tpu.dimension_semantics<core_parallel>, #tpu.dimension_semantics<subcore_parallel>], iteration_bounds = array<i64: 2, 16>, scalar_prefetch = 0 : i64, scratch_operands = 7 : i64, tpu.core_type = #tpu.core_type<sc_vector_subcore>, window_params = [{transform_indices = #map}, {transform_indices = #map}, {transform_indices = #map1}, {transform_indices = #map2}, {transform_indices = #map1}]} {
    %empty_ref3A = memref.alloca() : memref<16xf32, #tpu.memory_space<vmem>>
    "tpu.region"() ({
      %run_scoped3A = tpu.sem_alloc : memref<!tpu.dma_semaphore, #tpu.memory_space<semaphore_mem>>
      %dma_start3A_122 = arith.constant 0 : i32
      %dma_start3A_123 = tpu.memref_slice %empty_ref3A[%dma_start3A_122] : memref<16xf32, #tpu.memory_space<vmem>> -> memref<1xf32, #tpu.memory_space<vmem>>
      %dma_start3A_124 = arith.constant 0 : i32
      %dma_start3A_125 = tpu.memref_slice %empty_ref3A[%dma_start3A_124] : memref<16xf32, #tpu.memory_space<vmem>> -> memref<1xf32, #tpu.memory_space<vmem>>
      tpu.enqueue_dma source(%arg5 : memref<1xf32, #tpu.memory_space<hbm>>) target(%dma_start3A_125 : memref<1xf32, #tpu.memory_space<vmem>>) target_semaphore(%run_scoped3A : memref<!tpu.dma_semaphore, #tpu.memory_space<semaphore_mem>>)
      %dma_wait3A = arith.constant 0 : i32
      %dma_wait3A_126 = tpu.memref_slice %empty_ref3A[%dma_wait3A] : memref<16xf32, #tpu.memory_space<vmem>> -> memref<1xf32, #tpu.memory_space<vmem>>
      %dma_wait3A_127 = arith.constant 0 : i32
      %dma_wait3A_128 = tpu.memref_slice %empty_ref3A[%dma_wait3A_127] : memref<16xf32, #tpu.memory_space<vmem>> -> memref<1xf32, #tpu.memory_space<vmem>>
      tpu.wait_dma2 semaphore(%run_scoped3A : memref<!tpu.dma_semaphore, #tpu.memory_space<semaphore_mem>>) src(%arg5 : memref<1xf32, #tpu.memory_space<hbm>>) dst(%dma_wait3A_128 : memref<1xf32, #tpu.memory_space<vmem>>)
      tpu.yield
    }) : () -> ()
    %get3A = arith.constant 0 : index
    %get3A_0 = tpu.vector_load %empty_ref3A[%get3A] {strides = array<i32>} : memref<16xf32, #tpu.memory_space<vmem>>, vector<16xf32>,
    %slice3A = vector.extract_strided_slice %get3A_0 {offsets = [0], sizes = [1], strides = [1]} : vector<16xf32> to vector<1xf32>
    %squeeze3A = vector.extract %slice3A[0] : f32 from vector<1xf32>
    %mul3A = arith.constant 2 : i32
    %mul3A_1 = arith.muli %arg1, %mul3A : i32
    %add3A = arith.addi %mul3A_1, %arg0 : i32
    %parallel_loop3A = arith.constant 0 : i32
    %parallel_loop3A_2 = arith.constant 512 : i32
    %parallel_loop3A_3 = arith.constant 1 : i32
    scf.for %parallel_loop3A_122 = %parallel_loop3A to %parallel_loop3A_2 step %parallel_loop3A_3  : i32 {
      %parallel_loop3A_123 = arith.constant 0 : i32
      %parallel_loop3A_124 = vector.broadcast %parallel_loop3A_123 : i32 to vector<16xi32>
      %parallel_loop3A_125 = arith.constant 16 : i32
      %parallel_loop3A_126 = arith.muli %parallel_loop3A_122, %parallel_loop3A_125 : i32
      %parallel_loop3A_127 = arith.index_cast %parallel_loop3A_126 : i32 to index
      %parallel_loop3A_128 = tpu.vector_load %arg9[%parallel_loop3A_127] {strides = array<i32>} : memref<8192xi32, #tpu.memory_space<vmem>>, vector<16xi32>,
      tpu.vector_store %arg9[%parallel_loop3A_127], %parallel_loop3A_124 {strides = array<i32>} : memref<8192xi32, #tpu.memory_space<vmem>>, vector<16xi32>,
    } {sc.loop_unroll_factor = 8 : i64, sc.parallel_access}
    %dma_start3A = arith.constant 0 : i32
    %dma_start3A_4 = arith.constant 0 : i32
    %dma_start3A_5 = arith.constant 0 : i32
    %dma_start3A_6 = tpu.memref_slice %arg10[%dma_start3A_4, %dma_start3A_5] : memref<4x4096xi32, #tpu.memory_space<vmem>> -> memref<1x4096xi32, #tpu.memory_space<vmem>>
    %dma_start3A_7 = tpu.memref_squeeze %dma_start3A_6 : memref<1x4096xi32, #tpu.memory_space<vmem>> -> memref<4096xi32, #tpu.memory_space<vmem>>
    %dma_start3A_8 = arith.constant 0 : i32
    %dma_start3A_9 = tpu.memref_slice %arg4[%dma_start3A, %dma_start3A_8] : memref<26x16384xi32, #tpu.memory_space<hbm>> -> memref<1x4096xi32, #tpu.memory_space<hbm>>
    %dma_start3A_10 = tpu.memref_squeeze %dma_start3A_9 : memref<1x4096xi32, #tpu.memory_space<hbm>> -> memref<4096xi32, #tpu.memory_space<hbm>>
    %dma_start3A_11 = arith.constant 0 : i32
    %dma_start3A_12 = tpu.memref_slice %arg10[%dma_start3A_4, %dma_start3A_11] : memref<4x4096xi32, #tpu.memory_space<vmem>> -> memref<1x4096xi32, #tpu.memory_space<vmem>>
    %dma_start3A_13 = tpu.memref_squeeze %dma_start3A_12 : memref<1x4096xi32, #tpu.memory_space<vmem>> -> memref<4096xi32, #tpu.memory_space<vmem>>
    %dma_start3A_14 = arith.constant 0 : i32
    %dma_start3A_15 = tpu.memref_slice %arg4[%dma_start3A, %dma_start3A_14] : memref<26x16384xi32, #tpu.memory_space<hbm>> -> memref<1x4096xi32, #tpu.memory_space<hbm>>
    %dma_start3A_16 = tpu.memref_squeeze %dma_start3A_15 : memref<1x4096xi32, #tpu.memory_space<hbm>> -> memref<4096xi32, #tpu.memory_space<hbm>>
    tpu.enqueue_dma source(%dma_start3A_16 : memref<4096xi32, #tpu.memory_space<hbm>>) target(%dma_start3A_13 : memref<4096xi32, #tpu.memory_space<vmem>>) target_semaphore(%arg13 : memref<!tpu.dma_semaphore, #tpu.memory_space<semaphore_mem>>)
    %dma_start3A_17 = arith.constant 0 : i32
    %dma_start3A_18 = arith.constant 1 : i32
    %dma_start3A_19 = arith.constant 0 : i32
    %dma_start3A_20 = tpu.memref_slice %arg10[%dma_start3A_18, %dma_start3A_19] : memref<4x4096xi32, #tpu.memory_space<vmem>> -> memref<1x4096xi32, #tpu.memory_space<vmem>>
    %dma_start3A_21 = tpu.memref_squeeze %dma_start3A_20 : memref<1x4096xi32, #tpu.memory_space<vmem>> -> memref<4096xi32, #tpu.memory_space<vmem>>
    %dma_start3A_22 = arith.constant 4096 : i32
    %dma_start3A_23 = tpu.memref_slice %arg4[%dma_start3A_17, %dma_start3A_22] : memref<26x16384xi32, #tpu.memory_space<hbm>> -> memref<1x4096xi32, #tpu.memory_space<hbm>>
    %dma_start3A_24 = tpu.memref_squeeze %dma_start3A_23 : memref<1x4096xi32, #tpu.memory_space<hbm>> -> memref<4096xi32, #tpu.memory_space<hbm>>
    %dma_start3A_25 = arith.constant 0 : i32
    %dma_start3A_26 = tpu.memref_slice %arg10[%dma_start3A_18, %dma_start3A_25] : memref<4x4096xi32, #tpu.memory_space<vmem>> -> memref<1x4096xi32, #tpu.memory_space<vmem>>
    %dma_start3A_27 = tpu.memref_squeeze %dma_start3A_26 : memref<1x4096xi32, #tpu.memory_space<vmem>> -> memref<4096xi32, #tpu.memory_space<vmem>>
    %dma_start3A_28 = arith.constant 4096 : i32
    %dma_start3A_29 = tpu.memref_slice %arg4[%dma_start3A_17, %dma_start3A_28] : memref<26x16384xi32, #tpu.memory_space<hbm>> -> memref<1x4096xi32, #tpu.memory_space<hbm>>
    %dma_start3A_30 = tpu.memref_squeeze %dma_start3A_29 : memref<1x4096xi32, #tpu.memory_space<hbm>> -> memref<4096xi32, #tpu.memory_space<hbm>>
    tpu.enqueue_dma source(%dma_start3A_30 : memref<4096xi32, #tpu.memory_space<hbm>>) target(%dma_start3A_27 : memref<4096xi32, #tpu.memory_space<vmem>>) target_semaphore(%arg13 : memref<!tpu.dma_semaphore, #tpu.memory_space<semaphore_mem>>)
    %dma_start3A_31 = arith.constant 0 : i32
    %dma_start3A_32 = arith.constant 2 : i32
    %dma_start3A_33 = arith.constant 0 : i32
    %dma_start3A_34 = tpu.memref_slice %arg10[%dma_start3A_32, %dma_start3A_33] : memref<4x4096xi32, #tpu.memory_space<vmem>> -> memref<1x4096xi32, #tpu.memory_space<vmem>>
    %dma_start3A_35 = tpu.memref_squeeze %dma_start3A_34 : memref<1x4096xi32, #tpu.memory_space<vmem>> -> memref<4096xi32, #tpu.memory_space<vmem>>
    %dma_start3A_36 = arith.constant 8192 : i32
    %dma_start3A_37 = tpu.memref_slice %arg4[%dma_start3A_31, %dma_start3A_36] : memref<26x16384xi32, #tpu.memory_space<hbm>> -> memref<1x4096xi32, #tpu.memory_space<hbm>>
    %dma_start3A_38 = tpu.memref_squeeze %dma_start3A_37 : memref<1x4096xi32, #tpu.memory_space<hbm>> -> memref<4096xi32, #tpu.memory_space<hbm>>
    %dma_start3A_39 = arith.constant 0 : i32
    %dma_start3A_40 = tpu.memref_slice %arg10[%dma_start3A_32, %dma_start3A_39] : memref<4x4096xi32, #tpu.memory_space<vmem>> -> memref<1x4096xi32, #tpu.memory_space<vmem>>
    %dma_start3A_41 = tpu.memref_squeeze %dma_start3A_40 : memref<1x4096xi32, #tpu.memory_space<vmem>> -> memref<4096xi32, #tpu.memory_space<vmem>>
    %dma_start3A_42 = arith.constant 8192 : i32
    %dma_start3A_43 = tpu.memref_slice %arg4[%dma_start3A_31, %dma_start3A_42] : memref<26x16384xi32, #tpu.memory_space<hbm>> -> memref<1x4096xi32, #tpu.memory_space<hbm>>
    %dma_start3A_44 = tpu.memref_squeeze %dma_start3A_43 : memref<1x4096xi32, #tpu.memory_space<hbm>> -> memref<4096xi32, #tpu.memory_space<hbm>>
    tpu.enqueue_dma source(%dma_start3A_44 : memref<4096xi32, #tpu.memory_space<hbm>>) target(%dma_start3A_41 : memref<4096xi32, #tpu.memory_space<vmem>>) target_semaphore(%arg13 : memref<!tpu.dma_semaphore, #tpu.memory_space<semaphore_mem>>)
    %dma_start3A_45 = arith.constant 0 : i32
    %dma_start3A_46 = arith.constant 3 : i32
    %dma_start3A_47 = arith.constant 0 : i32
    %dma_start3A_48 = tpu.memref_slice %arg10[%dma_start3A_46, %dma_start3A_47] : memref<4x4096xi32, #tpu.memory_space<vmem>> -> memref<1x4096xi32, #tpu.memory_space<vmem>>
    %dma_start3A_49 = tpu.memref_squeeze %dma_start3A_48 : memref<1x4096xi32, #tpu.memory_space<vmem>> -> memref<4096xi32, #tpu.memory_space<vmem>>
    %dma_start3A_50 = arith.constant 12288 : i32
    %dma_start3A_51 = tpu.memref_slice %arg4[%dma_start3A_45, %dma_start3A_50] : memref<26x16384xi32, #tpu.memory_space<hbm>> -> memref<1x4096xi32, #tpu.memory_space<hbm>>
    %dma_start3A_52 = tpu.memref_squeeze %dma_start3A_51 : memref<1x4096xi32, #tpu.memory_space<hbm>> -> memref<4096xi32, #tpu.memory_space<hbm>>
    %dma_start3A_53 = arith.constant 0 : i32
    %dma_start3A_54 = tpu.memref_slice %arg10[%dma_start3A_46, %dma_start3A_53] : memref<4x4096xi32, #tpu.memory_space<vmem>> -> memref<1x4096xi32, #tpu.memory_space<vmem>>
    %dma_start3A_55 = tpu.memref_squeeze %dma_start3A_54 : memref<1x4096xi32, #tpu.memory_space<vmem>> -> memref<4096xi32, #tpu.memory_space<vmem>>
    %dma_start3A_56 = arith.constant 12288 : i32
    %dma_start3A_57 = tpu.memref_slice %arg4[%dma_start3A_45, %dma_start3A_56] : memref<26x16384xi32, #tpu.memory_space<hbm>> -> memref<1x4096xi32, #tpu.memory_space<hbm>>
    %dma_start3A_58 = tpu.memref_squeeze %dma_start3A_57 : memref<1x4096xi32, #tpu.memory_space<hbm>> -> memref<4096xi32, #tpu.memory_space<hbm>>
    tpu.enqueue_dma source(%dma_start3A_58 : memref<4096xi32, #tpu.memory_space<hbm>>) target(%dma_start3A_55 : memref<4096xi32, #tpu.memory_space<vmem>>) target_semaphore(%arg13 : memref<!tpu.dma_semaphore, #tpu.memory_space<semaphore_mem>>)
    %dma_start3A_59 = arith.constant 0 : i32
    %dma_start3A_60 = arith.constant 0 : i32
    %dma_start3A_61 = tpu.memref_slice %arg7[%dma_start3A_60] : memref<50176xf32, #tpu.memory_space<vmem>> -> memref<25088xf32, #tpu.memory_space<vmem>>
    %dma_start3A_62 = arith.constant 0 : i32
    %dma_start3A_63 = tpu.memref_slice %arg2[%dma_start3A_59, %add3A, %dma_start3A_62] : memref<26x32x100000xf32, #tpu.memory_space<hbm>> -> memref<1x1x25088xf32, #tpu.memory_space<hbm>>
    %dma_start3A_64 = tpu.memref_squeeze %dma_start3A_63 : memref<1x1x25088xf32, #tpu.memory_space<hbm>> -> memref<25088xf32, #tpu.memory_space<hbm>>
    %dma_start3A_65 = arith.constant 0 : i32
    %dma_start3A_66 = tpu.memref_slice %arg7[%dma_start3A_65] : memref<50176xf32, #tpu.memory_space<vmem>> -> memref<25088xf32, #tpu.memory_space<vmem>>
    %dma_start3A_67 = arith.constant 0 : i32
    %dma_start3A_68 = tpu.memref_slice %arg2[%dma_start3A_59, %add3A, %dma_start3A_67] : memref<26x32x100000xf32, #tpu.memory_space<hbm>> -> memref<1x1x25088xf32, #tpu.memory_space<hbm>>
    %dma_start3A_69 = tpu.memref_squeeze %dma_start3A_68 : memref<1x1x25088xf32, #tpu.memory_space<hbm>> -> memref<25088xf32, #tpu.memory_space<hbm>>
    tpu.enqueue_dma source(%dma_start3A_69 : memref<25088xf32, #tpu.memory_space<hbm>>) target(%dma_start3A_66 : memref<25088xf32, #tpu.memory_space<vmem>>) target_semaphore(%arg11 : memref<!tpu.dma_semaphore, #tpu.memory_space<semaphore_mem>>)
    %dma_start3A_70 = arith.constant 0 : i32
    %dma_start3A_71 = arith.constant 25088 : i32
    %dma_start3A_72 = tpu.memref_slice %arg7[%dma_start3A_71] : memref<50176xf32, #tpu.memory_space<vmem>> -> memref<25088xf32, #tpu.memory_space<vmem>>
    %dma_start3A_73 = arith.constant 25088 : i32
    %dma_start3A_74 = tpu.memref_slice %arg2[%dma_start3A_70, %add3A, %dma_start3A_73] : memref<26x32x100000xf32, #tpu.memory_space<hbm>> -> memref<1x1x25088xf32, #tpu.memory_space<hbm>>
    %dma_start3A_75 = tpu.memref_squeeze %dma_start3A_74 : memref<1x1x25088xf32, #tpu.memory_space<hbm>> -> memref<25088xf32, #tpu.memory_space<hbm>>
    %dma_start3A_76 = arith.constant 25088 : i32
    %dma_start3A_77 = tpu.memref_slice %arg7[%dma_start3A_76] : memref<50176xf32, #tpu.memory_space<vmem>> -> memref<25088xf32, #tpu.memory_space<vmem>>
    %dma_start3A_78 = arith.constant 25088 : i32
    %dma_start3A_79 = tpu.memref_slice %arg2[%dma_start3A_70, %add3A, %dma_start3A_78] : memref<26x32x100000xf32, #tpu.memory_space<hbm>> -> memref<1x1x25088xf32, #tpu.memory_space<hbm>>
    %dma_start3A_80 = tpu.memref_squeeze %dma_start3A_79 : memref<1x1x25088xf32, #tpu.memory_space<hbm>> -> memref<25088xf32, #tpu.memory_space<hbm>>
    tpu.enqueue_dma source(%dma_start3A_80 : memref<25088xf32, #tpu.memory_space<hbm>>) target(%dma_start3A_77 : memref<25088xf32, #tpu.memory_space<vmem>>) target_semaphore(%arg11 : memref<!tpu.dma_semaphore, #tpu.memory_space<semaphore_mem>>)
    %dma_start3A_81 = arith.constant 0 : i32
    %dma_start3A_82 = arith.constant 0 : i32
    %dma_start3A_83 = tpu.memref_slice %arg8[%dma_start3A_82] : memref<49920xf32, #tpu.memory_space<vmem>> -> memref<24960xf32, #tpu.memory_space<vmem>>
    %dma_start3A_84 = arith.constant 50176 : i32
    %dma_start3A_85 = tpu.memref_slice %arg2[%dma_start3A_81, %add3A, %dma_start3A_84] : memref<26x32x100000xf32, #tpu.memory_space<hbm>> -> memref<1x1x24960xf32, #tpu.memory_space<hbm>>
    %dma_start3A_86 = tpu.memref_squeeze %dma_start3A_85 : memref<1x1x24960xf32, #tpu.memory_space<hbm>> -> memref<24960xf32, #tpu.memory_space<hbm>>
    %dma_start3A_87 = arith.constant 0 : i32
    %dma_start3A_88 = tpu.memref_slice %arg8[%dma_start3A_87] : memref<49920xf32, #tpu.memory_space<vmem>> -> memref<24960xf32, #tpu.memory_space<vmem>>
    %dma_start3A_89 = arith.constant 50176 : i32
    %dma_start3A_90 = tpu.memref_slice %arg2[%dma_start3A_81, %add3A, %dma_start3A_89] : memref<26x32x100000xf32, #tpu.memory_space<hbm>> -> memref<1x1x24960xf32, #tpu.memory_space<hbm>>
    %dma_start3A_91 = tpu.memref_squeeze %dma_start3A_90 : memref<1x1x24960xf32, #tpu.memory_space<hbm>> -> memref<24960xf32, #tpu.memory_space<hbm>>
    tpu.enqueue_dma source(%dma_start3A_91 : memref<24960xf32, #tpu.memory_space<hbm>>) target(%dma_start3A_88 : memref<24960xf32, #tpu.memory_space<vmem>>) target_semaphore(%arg12 : memref<!tpu.dma_semaphore, #tpu.memory_space<semaphore_mem>>)
    %dma_start3A_92 = arith.constant 0 : i32
    %dma_start3A_93 = arith.constant 24960 : i32
    %dma_start3A_94 = tpu.memref_slice %arg8[%dma_start3A_93] : memref<49920xf32, #tpu.memory_space<vmem>> -> memref<24832xf32, #tpu.memory_space<vmem>>
    %dma_start3A_95 = arith.constant 75136 : i32
    %dma_start3A_96 = tpu.memref_slice %arg2[%dma_start3A_92, %add3A, %dma_start3A_95] : memref<26x32x100000xf32, #tpu.memory_space<hbm>> -> memref<1x1x24832xf32, #tpu.memory_space<hbm>>
    %dma_start3A_97 = tpu.memref_squeeze %dma_start3A_96 : memref<1x1x24832xf32, #tpu.memory_space<hbm>> -> memref<24832xf32, #tpu.memory_space<hbm>>
    %dma_start3A_98 = arith.constant 24960 : i32
    %dma_start3A_99 = tpu.memref_slice %arg8[%dma_start3A_98] : memref<49920xf32, #tpu.memory_space<vmem>> -> memref<24832xf32, #tpu.memory_space<vmem>>
    %dma_start3A_100 = arith.constant 75136 : i32
    %dma_start3A_101 = tpu.memref_slice %arg2[%dma_start3A_92, %add3A, %dma_start3A_100] : memref<26x32x100000xf32, #tpu.memory_space<hbm>> -> memref<1x1x24832xf32, #tpu.memory_space<hbm>>
    %dma_start3A_102 = tpu.memref_squeeze %dma_start3A_101 : memref<1x1x24832xf32, #tpu.memory_space<hbm>> -> memref<24832xf32, #tpu.memory_space<hbm>>
    tpu.enqueue_dma source(%dma_start3A_102 : memref<24832xf32, #tpu.memory_space<hbm>>) target(%dma_start3A_99 : memref<24832xf32, #tpu.memory_space<vmem>>) target_semaphore(%arg12 : memref<!tpu.dma_semaphore, #tpu.memory_space<semaphore_mem>>)
    %dma_start3A_103 = arith.constant 0 : i32
    %dma_start3A_104 = arith.constant 49792 : i32
    %dma_start3A_105 = tpu.memref_slice %arg8[%dma_start3A_104] : memref<49920xf32, #tpu.memory_space<vmem>> -> memref<128xf32, #tpu.memory_space<vmem>>
    %dma_start3A_106 = arith.constant 0 : i32
    %dma_start3A_107 = tpu.memref_slice %arg3[%dma_start3A_103, %add3A, %dma_start3A_106] : memref<26x32x128xf32, #tpu.memory_space<hbm>> -> memref<1x1x128xf32, #tpu.memory_space<hbm>>
    %dma_start3A_108 = tpu.memref_squeeze %dma_start3A_107 : memref<1x1x128xf32, #tpu.memory_space<hbm>> -> memref<128xf32, #tpu.memory_space<hbm>>
    %dma_start3A_109 = arith.constant 49792 : i32
    %dma_start3A_110 = tpu.memref_slice %arg8[%dma_start3A_109] : memref<49920xf32, #tpu.memory_space<vmem>> -> memref<128xf32, #tpu.memory_space<vmem>>
    %dma_start3A_111 = arith.constant 0 : i32
    %dma_start3A_112 = tpu.memref_slice %arg3[%dma_start3A_103, %add3A, %dma_start3A_111] : memref<26x32x128xf32, #tpu.memory_space<hbm>> -> memref<1x1x128xf32, #tpu.memory_space<hbm>>
    %dma_start3A_113 = tpu.memref_squeeze %dma_start3A_112 : memref<1x1x128xf32, #tpu.memory_space<hbm>> -> memref<128xf32, #tpu.memory_space<hbm>>
    tpu.enqueue_dma source(%dma_start3A_113 : memref<128xf32, #tpu.memory_space<hbm>>) target(%dma_start3A_110 : memref<128xf32, #tpu.memory_space<vmem>>) target_semaphore(%arg12 : memref<!tpu.dma_semaphore, #tpu.memory_space<semaphore_mem>>)
    %scan3A = arith.constant 0 : i32
    %scan3A_114 = arith.constant 0 : i32
    %scan3A_115 = arith.constant 26 : i32
    %scan3A_116 = arith.addi %scan3A_114, %scan3A_115 : i32
    %scan3A_117 = arith.constant 1 : i32
    scf.for %scan3A_122 = %scan3A_114 to %scan3A_116 step %scan3A_117  : i32 {
      %dma_wait3A = arith.constant 0 : i32
      %dma_wait3A_123 = arith.constant 0 : i32
      %dma_wait3A_124 = arith.constant 0 : i32
      %dma_wait3A_125 = tpu.memref_slice %arg7[%dma_wait3A_124] : memref<50176xf32, #tpu.memory_space<vmem>> -> memref<25088xf32, #tpu.memory_space<vmem>>
      %dma_wait3A_126 = arith.constant 0 : i32
      %dma_wait3A_127 = tpu.memref_slice %arg2[%dma_wait3A, %dma_wait3A_123, %dma_wait3A_126] : memref<26x32x100000xf32, #tpu.memory_space<hbm>> -> memref<1x1x25088xf32, #tpu.memory_space<hbm>>
      %dma_wait3A_128 = tpu.memref_squeeze %dma_wait3A_127 : memref<1x1x25088xf32, #tpu.memory_space<hbm>> -> memref<25088xf32, #tpu.memory_space<hbm>>
      %dma_wait3A_129 = arith.constant 0 : i32
      %dma_wait3A_130 = tpu.memref_slice %arg7[%dma_wait3A_129] : memref<50176xf32, #tpu.memory_space<vmem>> -> memref<25088xf32, #tpu.memory_space<vmem>>
      %dma_wait3A_131 = arith.constant 0 : i32
      %dma_wait3A_132 = tpu.memref_slice %arg2[%dma_wait3A, %dma_wait3A_123, %dma_wait3A_131] : memref<26x32x100000xf32, #tpu.memory_space<hbm>> -> memref<1x1x25088xf32, #tpu.memory_space<hbm>>
      %dma_wait3A_133 = tpu.memref_squeeze %dma_wait3A_132 : memref<1x1x25088xf32, #tpu.memory_space<hbm>> -> memref<25088xf32, #tpu.memory_space<hbm>>
      tpu.wait_dma2 semaphore(%arg11 : memref<!tpu.dma_semaphore, #tpu.memory_space<semaphore_mem>>) src(%dma_wait3A_133 : memref<25088xf32, #tpu.memory_space<hbm>>) dst(%dma_wait3A_130 : memref<25088xf32, #tpu.memory_space<vmem>>)
      %dma_wait3A_134 = arith.constant 0 : i32
      %dma_wait3A_135 = arith.constant 0 : i32
      %dma_wait3A_136 = arith.constant 25088 : i32
      %dma_wait3A_137 = tpu.memref_slice %arg7[%dma_wait3A_136] : memref<50176xf32, #tpu.memory_space<vmem>> -> memref<25088xf32, #tpu.memory_space<vmem>>
      %dma_wait3A_138 = arith.constant 25088 : i32
      %dma_wait3A_139 = tpu.memref_slice %arg2[%dma_wait3A_134, %dma_wait3A_135, %dma_wait3A_138] : memref<26x32x100000xf32, #tpu.memory_space<hbm>> -> memref<1x1x25088xf32, #tpu.memory_space<hbm>>
      %dma_wait3A_140 = tpu.memref_squeeze %dma_wait3A_139 : memref<1x1x25088xf32, #tpu.memory_space<hbm>> -> memref<25088xf32, #tpu.memory_space<hbm>>
      %dma_wait3A_141 = arith.constant 25088 : i32
      %dma_wait3A_142 = tpu.memref_slice %arg7[%dma_wait3A_141] : memref<50176xf32, #tpu.memory_space<vmem>> -> memref<25088xf32, #tpu.memory_space<vmem>>
      %dma_wait3A_143 = arith.constant 25088 : i32
      %dma_wait3A_144 = tpu.memref_slice %arg2[%dma_wait3A_134, %dma_wait3A_135, %dma_wait3A_143] : memref<26x32x100000xf32, #tpu.memory_space<hbm>> -> memref<1x1x25088xf32, #tpu.memory_space<hbm>>
      %dma_wait3A_145 = tpu.memref_squeeze %dma_wait3A_144 : memref<1x1x25088xf32, #tpu.memory_space<hbm>> -> memref<25088xf32, #tpu.memory_space<hbm>>
      tpu.wait_dma2 semaphore(%arg11 : memref<!tpu.dma_semaphore, #tpu.memory_space<semaphore_mem>>) src(%dma_wait3A_145 : memref<25088xf32, #tpu.memory_space<hbm>>) dst(%dma_wait3A_142 : memref<25088xf32, #tpu.memory_space<vmem>>)
      %dma_wait3A_146 = arith.constant 0 : i32
      %dma_wait3A_147 = arith.constant 0 : i32
      %dma_wait3A_148 = arith.constant 0 : i32
      %dma_wait3A_149 = tpu.memref_slice %arg10[%dma_wait3A_147, %dma_wait3A_148] : memref<4x4096xi32, #tpu.memory_space<vmem>> -> memref<1x4096xi32, #tpu.memory_space<vmem>>
      %dma_wait3A_150 = tpu.memref_squeeze %dma_wait3A_149 : memref<1x4096xi32, #tpu.memory_space<vmem>> -> memref<4096xi32, #tpu.memory_space<vmem>>
      %dma_wait3A_151 = arith.constant 0 : i32
      %dma_wait3A_152 = tpu.memref_slice %arg4[%dma_wait3A_146, %dma_wait3A_151] : memref<26x16384xi32, #tpu.memory_space<hbm>> -> memref<1x4096xi32, #tpu.memory_space<hbm>>
      %dma_wait3A_153 = tpu.memref_squeeze %dma_wait3A_152 : memref<1x4096xi32, #tpu.memory_space<hbm>> -> memref<4096xi32, #tpu.memory_space<hbm>>
      %dma_wait3A_154 = arith.constant 0 : i32
      %dma_wait3A_155 = tpu.memref_slice %arg10[%dma_wait3A_147, %dma_wait3A_154] : memref<4x4096xi32, #tpu.memory_space<vmem>> -> memref<1x4096xi32, #tpu.memory_space<vmem>>
      %dma_wait3A_156 = tpu.memref_squeeze %dma_wait3A_155 : memref<1x4096xi32, #tpu.memory_space<vmem>> -> memref<4096xi32, #tpu.memory_space<vmem>>
      %dma_wait3A_157 = arith.constant 0 : i32
      %dma_wait3A_158 = tpu.memref_slice %arg4[%dma_wait3A_146, %dma_wait3A_157] : memref<26x16384xi32, #tpu.memory_space<hbm>> -> memref<1x4096xi32, #tpu.memory_space<hbm>>
      %dma_wait3A_159 = tpu.memref_squeeze %dma_wait3A_158 : memref<1x4096xi32, #tpu.memory_space<hbm>> -> memref<4096xi32, #tpu.memory_space<hbm>>
      tpu.wait_dma2 semaphore(%arg13 : memref<!tpu.dma_semaphore, #tpu.memory_space<semaphore_mem>>) src(%dma_wait3A_159 : memref<4096xi32, #tpu.memory_space<hbm>>) dst(%dma_wait3A_156 : memref<4096xi32, #tpu.memory_space<vmem>>)
      %parallel_loop3A_160 = arith.constant 0 : i32
      %parallel_loop3A_161 = arith.constant 128 : i32
      %parallel_loop3A_162 = arith.constant 1 : i32
      %parallel_loop3A_163 = arith.constant 50176 : i32
      scf.for %parallel_loop3A_297 = %parallel_loop3A_160 to %parallel_loop3A_161 step %parallel_loop3A_162  : i32 {
        %parallel_loop3A_298 = arith.constant 32 : i32
        %parallel_loop3A_299 = arith.muli %parallel_loop3A_297, %parallel_loop3A_298 : i32
        %parallel_loop3A_300 = arith.constant 0 : i32
        %parallel_loop3A_301 = arith.index_cast %parallel_loop3A_300 : i32 to index
        %parallel_loop3A_302 = arith.index_cast %parallel_loop3A_299 : i32 to index
        %parallel_loop3A_303 = tpu.vector_load %arg10[%parallel_loop3A_301, %parallel_loop3A_302] {strides = array<i32>} : memref<4x4096xi32, #tpu.memory_space<vmem>>, vector<16xi32>,
        %parallel_loop3A_304 = arith.constant 32 : i32
        %parallel_loop3A_305 = arith.muli %parallel_loop3A_297, %parallel_loop3A_304 : i32
        %parallel_loop3A_306 = arith.constant 16 : i32
        %parallel_loop3A_307 = arith.addi %parallel_loop3A_305, %parallel_loop3A_306 : i32
        %parallel_loop3A_308 = arith.constant 0 : i32
        %parallel_loop3A_309 = arith.index_cast %parallel_loop3A_308 : i32 to index
        %parallel_loop3A_310 = arith.index_cast %parallel_loop3A_307 : i32 to index
        %parallel_loop3A_311 = tpu.vector_load %arg10[%parallel_loop3A_309, %parallel_loop3A_310] {strides = array<i32>} : memref<4x4096xi32, #tpu.memory_space<vmem>>, vector<16xi32>,
        %parallel_loop3A_312 = vector.broadcast %parallel_loop3A_163 : i32 to vector<16xi32>
        %parallel_loop3A_313 = arith.cmpi slt, %parallel_loop3A_303, %parallel_loop3A_312 : vector<16xi32>
        %parallel_loop3A_314 = vector.broadcast %parallel_loop3A_163 : i32 to vector<16xi32>
        %parallel_loop3A_315 = arith.cmpi slt, %parallel_loop3A_311, %parallel_loop3A_314 : vector<16xi32>
        %parallel_loop3A_316 = tpu.vector_load_idx %arg7[%parallel_loop3A_303] masked %parallel_loop3A_313 : memref<50176xf32, #tpu.memory_space<vmem>>[vector<16xi32>], vector<16xf32>, vector<16xi1>
        %parallel_loop3A_317 = tpu.vector_load_idx %arg7[%parallel_loop3A_311] masked %parallel_loop3A_315 : memref<50176xf32, #tpu.memory_space<vmem>>[vector<16xi32>], vector<16xf32>, vector<16xi1>
        %parallel_loop3A_318 = arith.constant 0.000000e+00 : f32
        %parallel_loop3A_319 = vector.broadcast %parallel_loop3A_318 : f32 to vector<16xf32>
        %parallel_loop3A_320 = arith.select %parallel_loop3A_313, %parallel_loop3A_316, %parallel_loop3A_319 : vector<16xi1>, vector<16xf32>
        %parallel_loop3A_321 = arith.constant 0.000000e+00 : f32
        %parallel_loop3A_322 = vector.broadcast %parallel_loop3A_321 : f32 to vector<16xf32>
        %parallel_loop3A_323 = arith.select %parallel_loop3A_315, %parallel_loop3A_317, %parallel_loop3A_322 : vector<16xi1>, vector<16xf32>
        %parallel_loop3A_324 = arith.constant 16 : i32
        %parallel_loop3A_325 = arith.muli %parallel_loop3A_297, %parallel_loop3A_324 : i32
        %parallel_loop3A_326 = arith.constant 0 : i32
        %parallel_loop3A_327 = arith.addi %parallel_loop3A_326, %parallel_loop3A_325 : i32
        %parallel_loop3A_328 = arith.index_cast %parallel_loop3A_327 : i32 to index
        %parallel_loop3A_329 = tpu.vector_load %arg9[%parallel_loop3A_328] {strides = array<i32>} : memref<8192xi32, #tpu.memory_space<vmem>>, vector<16xi32>,
        %parallel_loop3A_330 = vector.bitcast %parallel_loop3A_329 : vector<16xi32> to vector<32xbf16>
        %parallel_loop3A_331 = tpu.unpack_subelements %parallel_loop3A_330, 0 {pack_format = #tpu.pack_format<interleaved>} : vector<32xbf16> -> vector<16xf32>
        %parallel_loop3A_332 = tpu.unpack_subelements %parallel_loop3A_330, 1 {pack_format = #tpu.pack_format<interleaved>} : vector<32xbf16> -> vector<16xf32>
        %parallel_loop3A_333 = arith.addf %parallel_loop3A_331, %parallel_loop3A_320 : vector<16xf32>
        %parallel_loop3A_334 = arith.addf %parallel_loop3A_332, %parallel_loop3A_323 : vector<16xf32>
        %parallel_loop3A_335 = tpu.pack_subelements %parallel_loop3A_333, %parallel_loop3A_334 {pack_format = #tpu.pack_format<interleaved>, positions = array<i32: 0, 1>} : vector<16xf32>, vector<16xf32> -> vector<32xbf16>
        %parallel_loop3A_336 = vector.bitcast %parallel_loop3A_335 : vector<32xbf16> to vector<16xi32>
        %parallel_loop3A_337 = arith.constant 16 : i32
        %parallel_loop3A_338 = arith.muli %parallel_loop3A_297, %parallel_loop3A_337 : i32
        %parallel_loop3A_339 = arith.constant 0 : i32
        %parallel_loop3A_340 = arith.addi %parallel_loop3A_339, %parallel_loop3A_338 : i32
        %parallel_loop3A_341 = arith.index_cast %parallel_loop3A_340 : i32 to index
        %parallel_loop3A_342 = tpu.vector_load %arg9[%parallel_loop3A_341] {strides = array<i32>} : memref<8192xi32, #tpu.memory_space<vmem>>, vector<16xi32>,
        tpu.vector_store %arg9[%parallel_loop3A_341], %parallel_loop3A_336 {strides = array<i32>} : memref<8192xi32, #tpu.memory_space<vmem>>, vector<16xi32>,
      } {sc.loop_unroll_factor = 4 : i64, sc.parallel_access}
      %dma_wait3A_164 = arith.constant 0 : i32
      %dma_wait3A_165 = arith.constant 1 : i32
      %dma_wait3A_166 = arith.constant 0 : i32
      %dma_wait3A_167 = tpu.memref_slice %arg10[%dma_wait3A_165, %dma_wait3A_166] : memref<4x4096xi32, #tpu.memory_space<vmem>> -> memref<1x4096xi32, #tpu.memory_space<vmem>>
      %dma_wait3A_168 = tpu.memref_squeeze %dma_wait3A_167 : memref<1x4096xi32, #tpu.memory_space<vmem>> -> memref<4096xi32, #tpu.memory_space<vmem>>
      %dma_wait3A_169 = arith.constant 0 : i32
      %dma_wait3A_170 = tpu.memref_slice %arg4[%dma_wait3A_164, %dma_wait3A_169] : memref<26x16384xi32, #tpu.memory_space<hbm>> -> memref<1x4096xi32, #tpu.memory_space<hbm>>
      %dma_wait3A_171 = tpu.memref_squeeze %dma_wait3A_170 : memref<1x4096xi32, #tpu.memory_space<hbm>> -> memref<4096xi32, #tpu.memory_space<hbm>>
      %dma_wait3A_172 = arith.constant 0 : i32
      %dma_wait3A_173 = tpu.memref_slice %arg10[%dma_wait3A_165, %dma_wait3A_172] : memref<4x4096xi32, #tpu.memory_space<vmem>> -> memref<1x4096xi32, #tpu.memory_space<vmem>>
      %dma_wait3A_174 = tpu.memref_squeeze %dma_wait3A_173 : memref<1x4096xi32, #tpu.memory_space<vmem>> -> memref<4096xi32, #tpu.memory_space<vmem>>
      %dma_wait3A_175 = arith.constant 0 : i32
      %dma_wait3A_176 = tpu.memref_slice %arg4[%dma_wait3A_164, %dma_wait3A_175] : memref<26x16384xi32, #tpu.memory_space<hbm>> -> memref<1x4096xi32, #tpu.memory_space<hbm>>
      %dma_wait3A_177 = tpu.memref_squeeze %dma_wait3A_176 : memref<1x4096xi32, #tpu.memory_space<hbm>> -> memref<4096xi32, #tpu.memory_space<hbm>>
      tpu.wait_dma2 semaphore(%arg13 : memref<!tpu.dma_semaphore, #tpu.memory_space<semaphore_mem>>) src(%dma_wait3A_177 : memref<4096xi32, #tpu.memory_space<hbm>>) dst(%dma_wait3A_174 : memref<4096xi32, #tpu.memory_space<vmem>>)
      %parallel_loop3A_178 = arith.constant 0 : i32
      %parallel_loop3A_179 = arith.constant 128 : i32
      %parallel_loop3A_180 = arith.constant 1 : i32
      %parallel_loop3A_181 = arith.constant 50176 : i32
      scf.for %parallel_loop3A_297 = %parallel_loop3A_178 to %parallel_loop3A_179 step %parallel_loop3A_180  : i32 {
        %parallel_loop3A_298 = arith.constant 32 : i32
        %parallel_loop3A_299 = arith.muli %parallel_loop3A_297, %parallel_loop3A_298 : i32
        %parallel_loop3A_300 = arith.constant 1 : i32
        %parallel_loop3A_301 = arith.index_cast %parallel_loop3A_300 : i32 to index
        %parallel_loop3A_302 = arith.index_cast %parallel_loop3A_299 : i32 to index
        %parallel_loop3A_303 = tpu.vector_load %arg10[%parallel_loop3A_301, %parallel_loop3A_302] {strides = array<i32>} : memref<4x4096xi32, #tpu.memory_space<vmem>>, vector<16xi32>,
        %parallel_loop3A_304 = arith.constant 32 : i32
        %parallel_loop3A_305 = arith.muli %parallel_loop3A_297, %parallel_loop3A_304 : i32
        %parallel_loop3A_306 = arith.constant 16 : i32
        %parallel_loop3A_307 = arith.addi %parallel_loop3A_305, %parallel_loop3A_306 : i32
        %parallel_loop3A_308 = arith.constant 1 : i32
        %parallel_loop3A_309 = arith.index_cast %parallel_loop3A_308 : i32 to index
        %parallel_loop3A_310 = arith.index_cast %parallel_loop3A_307 : i32 to index
        %parallel_loop3A_311 = tpu.vector_load %arg10[%parallel_loop3A_309, %parallel_loop3A_310] {strides = array<i32>} : memref<4x4096xi32, #tpu.memory_space<vmem>>, vector<16xi32>,
        %parallel_loop3A_312 = vector.broadcast %parallel_loop3A_181 : i32 to vector<16xi32>
        %parallel_loop3A_313 = arith.cmpi slt, %parallel_loop3A_303, %parallel_loop3A_312 : vector<16xi32>
        %parallel_loop3A_314 = vector.broadcast %parallel_loop3A_181 : i32 to vector<16xi32>
        %parallel_loop3A_315 = arith.cmpi slt, %parallel_loop3A_311, %parallel_loop3A_314 : vector<16xi32>
        %parallel_loop3A_316 = tpu.vector_load_idx %arg7[%parallel_loop3A_303] masked %parallel_loop3A_313 : memref<50176xf32, #tpu.memory_space<vmem>>[vector<16xi32>], vector<16xf32>, vector<16xi1>
        %parallel_loop3A_317 = tpu.vector_load_idx %arg7[%parallel_loop3A_311] masked %parallel_loop3A_315 : memref<50176xf32, #tpu.memory_space<vmem>>[vector<16xi32>], vector<16xf32>, vector<16xi1>
        %parallel_loop3A_318 = arith.constant 0.000000e+00 : f32
        %parallel_loop3A_319 = vector.broadcast %parallel_loop3A_318 : f32 to vector<16xf32>
        %parallel_loop3A_320 = arith.select %parallel_loop3A_313, %parallel_loop3A_316, %parallel_loop3A_319 : vector<16xi1>, vector<16xf32>
        %parallel_loop3A_321 = arith.constant 0.000000e+00 : f32
        %parallel_loop3A_322 = vector.broadcast %parallel_loop3A_321 : f32 to vector<16xf32>
        %parallel_loop3A_323 = arith.select %parallel_loop3A_315, %parallel_loop3A_317, %parallel_loop3A_322 : vector<16xi1>, vector<16xf32>
        %parallel_loop3A_324 = arith.constant 16 : i32
        %parallel_loop3A_325 = arith.muli %parallel_loop3A_297, %parallel_loop3A_324 : i32
        %parallel_loop3A_326 = arith.constant 2048 : i32
        %parallel_loop3A_327 = arith.addi %parallel_loop3A_326, %parallel_loop3A_325 : i32
        %parallel_loop3A_328 = arith.index_cast %parallel_loop3A_327 : i32 to index
        %parallel_loop3A_329 = tpu.vector_load %arg9[%parallel_loop3A_328] {strides = array<i32>} : memref<8192xi32, #tpu.memory_space<vmem>>, vector<16xi32>,
        %parallel_loop3A_330 = vector.bitcast %parallel_loop3A_329 : vector<16xi32> to vector<32xbf16>
        %parallel_loop3A_331 = tpu.unpack_subelements %parallel_loop3A_330, 0 {pack_format = #tpu.pack_format<interleaved>} : vector<32xbf16> -> vector<16xf32>
        %parallel_loop3A_332 = tpu.unpack_subelements %parallel_loop3A_330, 1 {pack_format = #tpu.pack_format<interleaved>} : vector<32xbf16> -> vector<16xf32>
        %parallel_loop3A_333 = arith.addf %parallel_loop3A_331, %parallel_loop3A_320 : vector<16xf32>
        %parallel_loop3A_334 = arith.addf %parallel_loop3A_332, %parallel_loop3A_323 : vector<16xf32>
        %parallel_loop3A_335 = tpu.pack_subelements %parallel_loop3A_333, %parallel_loop3A_334 {pack_format = #tpu.pack_format<interleaved>, positions = array<i32: 0, 1>} : vector<16xf32>, vector<16xf32> -> vector<32xbf16>
        %parallel_loop3A_336 = vector.bitcast %parallel_loop3A_335 : vector<32xbf16> to vector<16xi32>
        %parallel_loop3A_337 = arith.constant 16 : i32
        %parallel_loop3A_338 = arith.muli %parallel_loop3A_297, %parallel_loop3A_337 : i32
        %parallel_loop3A_339 = arith.constant 2048 : i32
        %parallel_loop3A_340 = arith.addi %parallel_loop3A_339, %parallel_loop3A_338 : i32
        %parallel_loop3A_341 = arith.index_cast %parallel_loop3A_340 : i32 to index
        %parallel_loop3A_342 = tpu.vector_load %arg9[%parallel_loop3A_341] {strides = array<i32>} : memref<8192xi32, #tpu.memory_space<vmem>>, vector<16xi32>,
        tpu.vector_store %arg9[%parallel_loop3A_341], %parallel_loop3A_336 {strides = array<i32>} : memref<8192xi32, #tpu.memory_space<vmem>>, vector<16xi32>,
      } {sc.loop_unroll_factor = 4 : i64, sc.parallel_access}
      %dma_wait3A_182 = arith.constant 0 : i32
      %dma_wait3A_183 = arith.constant 2 : i32
      %dma_wait3A_184 = arith.constant 0 : i32
      %dma_wait3A_185 = tpu.memref_slice %arg10[%dma_wait3A_183, %dma_wait3A_184] : memref<4x4096xi32, #tpu.memory_space<vmem>> -> memref<1x4096xi32, #tpu.memory_space<vmem>>
      %dma_wait3A_186 = tpu.memref_squeeze %dma_wait3A_185 : memref<1x4096xi32, #tpu.memory_space<vmem>> -> memref<4096xi32, #tpu.memory_space<vmem>>
      %dma_wait3A_187 = arith.constant 0 : i32
      %dma_wait3A_188 = tpu.memref_slice %arg4[%dma_wait3A_182, %dma_wait3A_187] : memref<26x16384xi32, #tpu.memory_space<hbm>> -> memref<1x4096xi32, #tpu.memory_space<hbm>>
      %dma_wait3A_189 = tpu.memref_squeeze %dma_wait3A_188 : memref<1x4096xi32, #tpu.memory_space<hbm>> -> memref<4096xi32, #tpu.memory_space<hbm>>
      %dma_wait3A_190 = arith.constant 0 : i32
      %dma_wait3A_191 = tpu.memref_slice %arg10[%dma_wait3A_183, %dma_wait3A_190] : memref<4x4096xi32, #tpu.memory_space<vmem>> -> memref<1x4096xi32, #tpu.memory_space<vmem>>
      %dma_wait3A_192 = tpu.memref_squeeze %dma_wait3A_191 : memref<1x4096xi32, #tpu.memory_space<vmem>> -> memref<4096xi32, #tpu.memory_space<vmem>>
      %dma_wait3A_193 = arith.constant 0 : i32
      %dma_wait3A_194 = tpu.memref_slice %arg4[%dma_wait3A_182, %dma_wait3A_193] : memref<26x16384xi32, #tpu.memory_space<hbm>> -> memref<1x4096xi32, #tpu.memory_space<hbm>>
      %dma_wait3A_195 = tpu.memref_squeeze %dma_wait3A_194 : memref<1x4096xi32, #tpu.memory_space<hbm>> -> memref<4096xi32, #tpu.memory_space<hbm>>
      tpu.wait_dma2 semaphore(%arg13 : memref<!tpu.dma_semaphore, #tpu.memory_space<semaphore_mem>>) src(%dma_wait3A_195 : memref<4096xi32, #tpu.memory_space<hbm>>) dst(%dma_wait3A_192 : memref<4096xi32, #tpu.memory_space<vmem>>)
      %parallel_loop3A_196 = arith.constant 0 : i32
      %parallel_loop3A_197 = arith.constant 128 : i32
      %parallel_loop3A_198 = arith.constant 1 : i32
      %parallel_loop3A_199 = arith.constant 50176 : i32
      scf.for %parallel_loop3A_297 = %parallel_loop3A_196 to %parallel_loop3A_197 step %parallel_loop3A_198  : i32 {
        %parallel_loop3A_298 = arith.constant 32 : i32
        %parallel_loop3A_299 = arith.muli %parallel_loop3A_297, %parallel_loop3A_298 : i32
        %parallel_loop3A_300 = arith.constant 2 : i32
        %parallel_loop3A_301 = arith.index_cast %parallel_loop3A_300 : i32 to index
        %parallel_loop3A_302 = arith.index_cast %parallel_loop3A_299 : i32 to index
        %parallel_loop3A_303 = tpu.vector_load %arg10[%parallel_loop3A_301, %parallel_loop3A_302] {strides = array<i32>} : memref<4x4096xi32, #tpu.memory_space<vmem>>, vector<16xi32>,
        %parallel_loop3A_304 = arith.constant 32 : i32
        %parallel_loop3A_305 = arith.muli %parallel_loop3A_297, %parallel_loop3A_304 : i32
        %parallel_loop3A_306 = arith.constant 16 : i32
        %parallel_loop3A_307 = arith.addi %parallel_loop3A_305, %parallel_loop3A_306 : i32
        %parallel_loop3A_308 = arith.constant 2 : i32
        %parallel_loop3A_309 = arith.index_cast %parallel_loop3A_308 : i32 to index
        %parallel_loop3A_310 = arith.index_cast %parallel_loop3A_307 : i32 to index
        %parallel_loop3A_311 = tpu.vector_load %arg10[%parallel_loop3A_309, %parallel_loop3A_310] {strides = array<i32>} : memref<4x4096xi32, #tpu.memory_space<vmem>>, vector<16xi32>,
        %parallel_loop3A_312 = vector.broadcast %parallel_loop3A_199 : i32 to vector<16xi32>
        %parallel_loop3A_313 = arith.cmpi slt, %parallel_loop3A_303, %parallel_loop3A_312 : vector<16xi32>
        %parallel_loop3A_314 = vector.broadcast %parallel_loop3A_199 : i32 to vector<16xi32>
        %parallel_loop3A_315 = arith.cmpi slt, %parallel_loop3A_311, %parallel_loop3A_314 : vector<16xi32>
        %parallel_loop3A_316 = tpu.vector_load_idx %arg7[%parallel_loop3A_303] masked %parallel_loop3A_313 : memref<50176xf32, #tpu.memory_space<vmem>>[vector<16xi32>], vector<16xf32>, vector<16xi1>
        %parallel_loop3A_317 = tpu.vector_load_idx %arg7[%parallel_loop3A_311] masked %parallel_loop3A_315 : memref<50176xf32, #tpu.memory_space<vmem>>[vector<16xi32>], vector<16xf32>, vector<16xi1>
        %parallel_loop3A_318 = arith.constant 0.000000e+00 : f32
        %parallel_loop3A_319 = vector.broadcast %parallel_loop3A_318 : f32 to vector<16xf32>
        %parallel_loop3A_320 = arith.select %parallel_loop3A_313, %parallel_loop3A_316, %parallel_loop3A_319 : vector<16xi1>, vector<16xf32>
        %parallel_loop3A_321 = arith.constant 0.000000e+00 : f32
        %parallel_loop3A_322 = vector.broadcast %parallel_loop3A_321 : f32 to vector<16xf32>
        %parallel_loop3A_323 = arith.select %parallel_loop3A_315, %parallel_loop3A_317, %parallel_loop3A_322 : vector<16xi1>, vector<16xf32>
        %parallel_loop3A_324 = arith.constant 16 : i32
        %parallel_loop3A_325 = arith.muli %parallel_loop3A_297, %parallel_loop3A_324 : i32
        %parallel_loop3A_326 = arith.constant 4096 : i32
        %parallel_loop3A_327 = arith.addi %parallel_loop3A_326, %parallel_loop3A_325 : i32
        %parallel_loop3A_328 = arith.index_cast %parallel_loop3A_327 : i32 to index
        %parallel_loop3A_329 = tpu.vector_load %arg9[%parallel_loop3A_328] {strides = array<i32>} : memref<8192xi32, #tpu.memory_space<vmem>>, vector<16xi32>,
        %parallel_loop3A_330 = vector.bitcast %parallel_loop3A_329 : vector<16xi32> to vector<32xbf16>
        %parallel_loop3A_331 = tpu.unpack_subelements %parallel_loop3A_330, 0 {pack_format = #tpu.pack_format<interleaved>} : vector<32xbf16> -> vector<16xf32>
        %parallel_loop3A_332 = tpu.unpack_subelements %parallel_loop3A_330, 1 {pack_format = #tpu.pack_format<interleaved>} : vector<32xbf16> -> vector<16xf32>
        %parallel_loop3A_333 = arith.addf %parallel_loop3A_331, %parallel_loop3A_320 : vector<16xf32>
        %parallel_loop3A_334 = arith.addf %parallel_loop3A_332, %parallel_loop3A_323 : vector<16xf32>
        %parallel_loop3A_335 = tpu.pack_subelements %parallel_loop3A_333, %parallel_loop3A_334 {pack_format = #tpu.pack_format<interleaved>, positions = array<i32: 0, 1>} : vector<16xf32>, vector<16xf32> -> vector<32xbf16>
        %parallel_loop3A_336 = vector.bitcast %parallel_loop3A_335 : vector<32xbf16> to vector<16xi32>
        %parallel_loop3A_337 = arith.constant 16 : i32
        %parallel_loop3A_338 = arith.muli %parallel_loop3A_297, %parallel_loop3A_337 : i32
        %parallel_loop3A_339 = arith.constant 4096 : i32
        %parallel_loop3A_340 = arith.addi %parallel_loop3A_339, %parallel_loop3A_338 : i32
        %parallel_loop3A_341 = arith.index_cast %parallel_loop3A_340 : i32 to index
        %parallel_loop3A_342 = tpu.vector_load %arg9[%parallel_loop3A_341] {strides = array<i32>} : memref<8192xi32, #tpu.memory_space<vmem>>, vector<16xi32>,
        tpu.vector_store %arg9[%parallel_loop3A_341], %parallel_loop3A_336 {strides = array<i32>} : memref<8192xi32, #tpu.memory_space<vmem>>, vector<16xi32>,
      } {sc.loop_unroll_factor = 4 : i64, sc.parallel_access}
      %dma_wait3A_200 = arith.constant 0 : i32
      %dma_wait3A_201 = arith.constant 3 : i32
      %dma_wait3A_202 = arith.constant 0 : i32
      %dma_wait3A_203 = tpu.memref_slice %arg10[%dma_wait3A_201, %dma_wait3A_202] : memref<4x4096xi32, #tpu.memory_space<vmem>> -> memref<1x4096xi32, #tpu.memory_space<vmem>>
      %dma_wait3A_204 = tpu.memref_squeeze %dma_wait3A_203 : memref<1x4096xi32, #tpu.memory_space<vmem>> -> memref<4096xi32, #tpu.memory_space<vmem>>
      %dma_wait3A_205 = arith.constant 0 : i32
      %dma_wait3A_206 = tpu.memref_slice %arg4[%dma_wait3A_200, %dma_wait3A_205] : memref<26x16384xi32, #tpu.memory_space<hbm>> -> memref<1x4096xi32, #tpu.memory_space<hbm>>
      %dma_wait3A_207 = tpu.memref_squeeze %dma_wait3A_206 : memref<1x4096xi32, #tpu.memory_space<hbm>> -> memref<4096xi32, #tpu.memory_space<hbm>>
      %dma_wait3A_208 = arith.constant 0 : i32
      %dma_wait3A_209 = tpu.memref_slice %arg10[%dma_wait3A_201, %dma_wait3A_208] : memref<4x4096xi32, #tpu.memory_space<vmem>> -> memref<1x4096xi32, #tpu.memory_space<vmem>>
      %dma_wait3A_210 = tpu.memref_squeeze %dma_wait3A_209 : memref<1x4096xi32, #tpu.memory_space<vmem>> -> memref<4096xi32, #tpu.memory_space<vmem>>
      %dma_wait3A_211 = arith.constant 0 : i32
      %dma_wait3A_212 = tpu.memref_slice %arg4[%dma_wait3A_200, %dma_wait3A_211] : memref<26x16384xi32, #tpu.memory_space<hbm>> -> memref<1x4096xi32, #tpu.memory_space<hbm>>
      %dma_wait3A_213 = tpu.memref_squeeze %dma_wait3A_212 : memref<1x4096xi32, #tpu.memory_space<hbm>> -> memref<4096xi32, #tpu.memory_space<hbm>>
      tpu.wait_dma2 semaphore(%arg13 : memref<!tpu.dma_semaphore, #tpu.memory_space<semaphore_mem>>) src(%dma_wait3A_213 : memref<4096xi32, #tpu.memory_space<hbm>>) dst(%dma_wait3A_210 : memref<4096xi32, #tpu.memory_space<vmem>>)
      %parallel_loop3A_214 = arith.constant 0 : i32
      %parallel_loop3A_215 = arith.constant 128 : i32
      %parallel_loop3A_216 = arith.constant 1 : i32
      %parallel_loop3A_217 = arith.constant 50176 : i32
      scf.for %parallel_loop3A_297 = %parallel_loop3A_214 to %parallel_loop3A_215 step %parallel_loop3A_216  : i32 {
        %parallel_loop3A_298 = arith.constant 32 : i32
        %parallel_loop3A_299 = arith.muli %parallel_loop3A_297, %parallel_loop3A_298 : i32
        %parallel_loop3A_300 = arith.constant 3 : i32
        %parallel_loop3A_301 = arith.index_cast %parallel_loop3A_300 : i32 to index
        %parallel_loop3A_302 = arith.index_cast %parallel_loop3A_299 : i32 to index
        %parallel_loop3A_303 = tpu.vector_load %arg10[%parallel_loop3A_301, %parallel_loop3A_302] {strides = array<i32>} : memref<4x4096xi32, #tpu.memory_space<vmem>>, vector<16xi32>,
        %parallel_loop3A_304 = arith.constant 32 : i32
        %parallel_loop3A_305 = arith.muli %parallel_loop3A_297, %parallel_loop3A_304 : i32
        %parallel_loop3A_306 = arith.constant 16 : i32
        %parallel_loop3A_307 = arith.addi %parallel_loop3A_305, %parallel_loop3A_306 : i32
        %parallel_loop3A_308 = arith.constant 3 : i32
        %parallel_loop3A_309 = arith.index_cast %parallel_loop3A_308 : i32 to index
        %parallel_loop3A_310 = arith.index_cast %parallel_loop3A_307 : i32 to index
        %parallel_loop3A_311 = tpu.vector_load %arg10[%parallel_loop3A_309, %parallel_loop3A_310] {strides = array<i32>} : memref<4x4096xi32, #tpu.memory_space<vmem>>, vector<16xi32>,
        %parallel_loop3A_312 = vector.broadcast %parallel_loop3A_217 : i32 to vector<16xi32>
        %parallel_loop3A_313 = arith.cmpi slt, %parallel_loop3A_303, %parallel_loop3A_312 : vector<16xi32>
        %parallel_loop3A_314 = vector.broadcast %parallel_loop3A_217 : i32 to vector<16xi32>
        %parallel_loop3A_315 = arith.cmpi slt, %parallel_loop3A_311, %parallel_loop3A_314 : vector<16xi32>
        %parallel_loop3A_316 = tpu.vector_load_idx %arg7[%parallel_loop3A_303] masked %parallel_loop3A_313 : memref<50176xf32, #tpu.memory_space<vmem>>[vector<16xi32>], vector<16xf32>, vector<16xi1>
        %parallel_loop3A_317 = tpu.vector_load_idx %arg7[%parallel_loop3A_311] masked %parallel_loop3A_315 : memref<50176xf32, #tpu.memory_space<vmem>>[vector<16xi32>], vector<16xf32>, vector<16xi1>
        %parallel_loop3A_318 = arith.constant 0.000000e+00 : f32
        %parallel_loop3A_319 = vector.broadcast %parallel_loop3A_318 : f32 to vector<16xf32>
        %parallel_loop3A_320 = arith.select %parallel_loop3A_313, %parallel_loop3A_316, %parallel_loop3A_319 : vector<16xi1>, vector<16xf32>
        %parallel_loop3A_321 = arith.constant 0.000000e+00 : f32
        %parallel_loop3A_322 = vector.broadcast %parallel_loop3A_321 : f32 to vector<16xf32>
        %parallel_loop3A_323 = arith.select %parallel_loop3A_315, %parallel_loop3A_317, %parallel_loop3A_322 : vector<16xi1>, vector<16xf32>
        %parallel_loop3A_324 = arith.constant 16 : i32
        %parallel_loop3A_325 = arith.muli %parallel_loop3A_297, %parallel_loop3A_324 : i32
        %parallel_loop3A_326 = arith.constant 6144 : i32
        %parallel_loop3A_327 = arith.addi %parallel_loop3A_326, %parallel_loop3A_325 : i32
        %parallel_loop3A_328 = arith.index_cast %parallel_loop3A_327 : i32 to index
        %parallel_loop3A_329 = tpu.vector_load %arg9[%parallel_loop3A_328] {strides = array<i32>} : memref<8192xi32, #tpu.memory_space<vmem>>, vector<16xi32>,
        %parallel_loop3A_330 = vector.bitcast %parallel_loop3A_329 : vector<16xi32> to vector<32xbf16>
        %parallel_loop3A_331 = tpu.unpack_subelements %parallel_loop3A_330, 0 {pack_format = #tpu.pack_format<interleaved>} : vector<32xbf16> -> vector<16xf32>
        %parallel_loop3A_332 = tpu.unpack_subelements %parallel_loop3A_330, 1 {pack_format = #tpu.pack_format<interleaved>} : vector<32xbf16> -> vector<16xf32>
        %parallel_loop3A_333 = arith.addf %parallel_loop3A_331, %parallel_loop3A_320 : vector<16xf32>
        %parallel_loop3A_334 = arith.addf %parallel_loop3A_332, %parallel_loop3A_323 : vector<16xf32>
        %parallel_loop3A_335 = tpu.pack_subelements %parallel_loop3A_333, %parallel_loop3A_334 {pack_format = #tpu.pack_format<interleaved>, positions = array<i32: 0, 1>} : vector<16xf32>, vector<16xf32> -> vector<32xbf16>
        %parallel_loop3A_336 = vector.bitcast %parallel_loop3A_335 : vector<32xbf16> to vector<16xi32>
        %parallel_loop3A_337 = arith.constant 16 : i32
        %parallel_loop3A_338 = arith.muli %parallel_loop3A_297, %parallel_loop3A_337 : i32
        %parallel_loop3A_339 = arith.constant 6144 : i32
        %parallel_loop3A_340 = arith.addi %parallel_loop3A_339, %parallel_loop3A_338 : i32
        %parallel_loop3A_341 = arith.index_cast %parallel_loop3A_340 : i32 to index
        %parallel_loop3A_342 = tpu.vector_load %arg9[%parallel_loop3A_341] {strides = array<i32>} : memref<8192xi32, #tpu.memory_space<vmem>>, vector<16xi32>,
        tpu.vector_store %arg9[%parallel_loop3A_341], %parallel_loop3A_336 {strides = array<i32>} : memref<8192xi32, #tpu.memory_space<vmem>>, vector<16xi32>,
      } {sc.loop_unroll_factor = 4 : i64, sc.parallel_access}
      %dma_wait3A_218 = arith.constant 0 : i32
      %dma_wait3A_219 = arith.constant 0 : i32
      %dma_wait3A_220 = arith.constant 0 : i32
      %dma_wait3A_221 = tpu.memref_slice %arg8[%dma_wait3A_220] : memref<49920xf32, #tpu.memory_space<vmem>> -> memref<24960xf32, #tpu.memory_space<vmem>>
      %dma_wait3A_222 = arith.constant 50176 : i32
      %dma_wait3A_223 = tpu.memref_slice %arg2[%dma_wait3A_218, %dma_wait3A_219, %dma_wait3A_222] : memref<26x32x100000xf32, #tpu.memory_space<hbm>> -> memref<1x1x24960xf32, #tpu.memory_space<hbm>>
      %dma_wait3A_224 = tpu.memref_squeeze %dma_wait3A_223 : memref<1x1x24960xf32, #tpu.memory_space<hbm>> -> memref<24960xf32, #tpu.memory_space<hbm>>
      %dma_wait3A_225 = arith.constant 0 : i32
      %dma_wait3A_226 = tpu.memref_slice %arg8[%dma_wait3A_225] : memref<49920xf32, #tpu.memory_space<vmem>> -> memref<24960xf32, #tpu.memory_space<vmem>>
      %dma_wait3A_227 = arith.constant 50176 : i32
      %dma_wait3A_228 = tpu.memref_slice %arg2[%dma_wait3A_218, %dma_wait3A_219, %dma_wait3A_227] : memref<26x32x100000xf32, #tpu.memory_space<hbm>> -> memref<1x1x24960xf32, #tpu.memory_space<hbm>>
      %dma_wait3A_229 = tpu.memref_squeeze %dma_wait3A_228 : memref<1x1x24960xf32, #tpu.memory_space<hbm>> -> memref<24960xf32, #tpu.memory_space<hbm>>
      tpu.wait_dma2 semaphore(%arg12 : memref<!tpu.dma_semaphore, #tpu.memory_space<semaphore_mem>>) src(%dma_wait3A_229 : memref<24960xf32, #tpu.memory_space<hbm>>) dst(%dma_wait3A_226 : memref<24960xf32, #tpu.memory_space<vmem>>)
      %dma_wait3A_230 = arith.constant 0 : i32
      %dma_wait3A_231 = arith.constant 0 : i32
      %dma_wait3A_232 = arith.constant 24960 : i32
      %dma_wait3A_233 = tpu.memref_slice %arg8[%dma_wait3A_232] : memref<49920xf32, #tpu.memory_space<vmem>> -> memref<24832xf32, #tpu.memory_space<vmem>>
      %dma_wait3A_234 = arith.constant 75136 : i32
      %dma_wait3A_235 = tpu.memref_slice %arg2[%dma_wait3A_230, %dma_wait3A_231, %dma_wait3A_234] : memref<26x32x100000xf32, #tpu.memory_space<hbm>> -> memref<1x1x24832xf32, #tpu.memory_space<hbm>>
      %dma_wait3A_236 = tpu.memref_squeeze %dma_wait3A_235 : memref<1x1x24832xf32, #tpu.memory_space<hbm>> -> memref<24832xf32, #tpu.memory_space<hbm>>
      %dma_wait3A_237 = arith.constant 24960 : i32
      %dma_wait3A_238 = tpu.memref_slice %arg8[%dma_wait3A_237] : memref<49920xf32, #tpu.memory_space<vmem>> -> memref<24832xf32, #tpu.memory_space<vmem>>
      %dma_wait3A_239 = arith.constant 75136 : i32
      %dma_wait3A_240 = tpu.memref_slice %arg2[%dma_wait3A_230, %dma_wait3A_231, %dma_wait3A_239] : memref<26x32x100000xf32, #tpu.memory_space<hbm>> -> memref<1x1x24832xf32, #tpu.memory_space<hbm>>
      %dma_wait3A_241 = tpu.memref_squeeze %dma_wait3A_240 : memref<1x1x24832xf32, #tpu.memory_space<hbm>> -> memref<24832xf32, #tpu.memory_space<hbm>>
      tpu.wait_dma2 semaphore(%arg12 : memref<!tpu.dma_semaphore, #tpu.memory_space<semaphore_mem>>) src(%dma_wait3A_241 : memref<24832xf32, #tpu.memory_space<hbm>>) dst(%dma_wait3A_238 : memref<24832xf32, #tpu.memory_space<vmem>>)
      %dma_wait3A_242 = arith.constant 0 : i32
      %dma_wait3A_243 = arith.constant 0 : i32
      %dma_wait3A_244 = arith.constant 49792 : i32
      %dma_wait3A_245 = tpu.memref_slice %arg8[%dma_wait3A_244] : memref<49920xf32, #tpu.memory_space<vmem>> -> memref<128xf32, #tpu.memory_space<vmem>>
      %dma_wait3A_246 = arith.constant 0 : i32
      %dma_wait3A_247 = tpu.memref_slice %arg3[%dma_wait3A_242, %dma_wait3A_243, %dma_wait3A_246] : memref<26x32x128xf32, #tpu.memory_space<hbm>> -> memref<1x1x128xf32, #tpu.memory_space<hbm>>
      %dma_wait3A_248 = tpu.memref_squeeze %dma_wait3A_247 : memref<1x1x128xf32, #tpu.memory_space<hbm>> -> memref<128xf32, #tpu.memory_space<hbm>>
      %dma_wait3A_249 = arith.constant 49792 : i32
      %dma_wait3A_250 = tpu.memref_slice %arg8[%dma_wait3A_249] : memref<49920xf32, #tpu.memory_space<vmem>> -> memref<128xf32, #tpu.memory_space<vmem>>
      %dma_wait3A_251 = arith.constant 0 : i32
      %dma_wait3A_252 = tpu.memref_slice %arg3[%dma_wait3A_242, %dma_wait3A_243, %dma_wait3A_251] : memref<26x32x128xf32, #tpu.memory_space<hbm>> -> memref<1x1x128xf32, #tpu.memory_space<hbm>>
      %dma_wait3A_253 = tpu.memref_squeeze %dma_wait3A_252 : memref<1x1x128xf32, #tpu.memory_space<hbm>> -> memref<128xf32, #tpu.memory_space<hbm>>
      tpu.wait_dma2 semaphore(%arg12 : memref<!tpu.dma_semaphore, #tpu.memory_space<semaphore_mem>>) src(%dma_wait3A_253 : memref<128xf32, #tpu.memory_space<hbm>>) dst(%dma_wait3A_250 : memref<128xf32, #tpu.memory_space<vmem>>)
      %lt3A = arith.constant 25 : i32
      %lt3A_254 = arith.cmpi slt, %scan3A_122, %lt3A : i32
      %convert_element_type3A = arith.extui %lt3A_254 : i1 to i32
      %cond3A = arith.constant 0 : i32
      %cond3A_255 = arith.cmpi ne, %convert_element_type3A, %cond3A : i32
      scf.if %cond3A_255 {
        %add3A_297 = arith.constant 1 : i32
        %add3A_298 = arith.addi %scan3A_122, %add3A_297 : i32
        %dma_start3A_299 = arith.constant 0 : i32
        %dma_start3A_300 = tpu.memref_slice %arg7[%dma_start3A_299] : memref<50176xf32, #tpu.memory_space<vmem>> -> memref<25088xf32, #tpu.memory_space<vmem>>
        %dma_start3A_301 = arith.constant 0 : i32
        %dma_start3A_302 = tpu.memref_slice %arg2[%add3A_298, %add3A, %dma_start3A_301] : memref<26x32x100000xf32, #tpu.memory_space<hbm>> -> memref<1x1x25088xf32, #tpu.memory_space<hbm>>
        %dma_start3A_303 = tpu.memref_squeeze %dma_start3A_302 : memref<1x1x25088xf32, #tpu.memory_space<hbm>> -> memref<25088xf32, #tpu.memory_space<hbm>>
        %dma_start3A_304 = arith.constant 0 : i32
        %dma_start3A_305 = tpu.memref_slice %arg7[%dma_start3A_304] : memref<50176xf32, #tpu.memory_space<vmem>> -> memref<25088xf32, #tpu.memory_space<vmem>>
        %dma_start3A_306 = arith.constant 0 : i32
        %dma_start3A_307 = tpu.memref_slice %arg2[%add3A_298, %add3A, %dma_start3A_306] : memref<26x32x100000xf32, #tpu.memory_space<hbm>> -> memref<1x1x25088xf32, #tpu.memory_space<hbm>>
        %dma_start3A_308 = tpu.memref_squeeze %dma_start3A_307 : memref<1x1x25088xf32, #tpu.memory_space<hbm>> -> memref<25088xf32, #tpu.memory_space<hbm>>
        tpu.enqueue_dma source(%dma_start3A_308 : memref<25088xf32, #tpu.memory_space<hbm>>) target(%dma_start3A_305 : memref<25088xf32, #tpu.memory_space<vmem>>) target_semaphore(%arg11 : memref<!tpu.dma_semaphore, #tpu.memory_space<semaphore_mem>>)
        %dma_start3A_309 = arith.constant 25088 : i32
        %dma_start3A_310 = tpu.memref_slice %arg7[%dma_start3A_309] : memref<50176xf32, #tpu.memory_space<vmem>> -> memref<25088xf32, #tpu.memory_space<vmem>>
        %dma_start3A_311 = arith.constant 25088 : i32
        %dma_start3A_312 = tpu.memref_slice %arg2[%add3A_298, %add3A, %dma_start3A_311] : memref<26x32x100000xf32, #tpu.memory_space<hbm>> -> memref<1x1x25088xf32, #tpu.memory_space<hbm>>
        %dma_start3A_313 = tpu.memref_squeeze %dma_start3A_312 : memref<1x1x25088xf32, #tpu.memory_space<hbm>> -> memref<25088xf32, #tpu.memory_space<hbm>>
        %dma_start3A_314 = arith.constant 25088 : i32
        %dma_start3A_315 = tpu.memref_slice %arg7[%dma_start3A_314] : memref<50176xf32, #tpu.memory_space<vmem>> -> memref<25088xf32, #tpu.memory_space<vmem>>
        %dma_start3A_316 = arith.constant 25088 : i32
        %dma_start3A_317 = tpu.memref_slice %arg2[%add3A_298, %add3A, %dma_start3A_316] : memref<26x32x100000xf32, #tpu.memory_space<hbm>> -> memref<1x1x25088xf32, #tpu.memory_space<hbm>>
        %dma_start3A_318 = tpu.memref_squeeze %dma_start3A_317 : memref<1x1x25088xf32, #tpu.memory_space<hbm>> -> memref<25088xf32, #tpu.memory_space<hbm>>
        tpu.enqueue_dma source(%dma_start3A_318 : memref<25088xf32, #tpu.memory_space<hbm>>) target(%dma_start3A_315 : memref<25088xf32, #tpu.memory_space<vmem>>) target_semaphore(%arg11 : memref<!tpu.dma_semaphore, #tpu.memory_space<semaphore_mem>>)
      } else {
      }
      %parallel_loop3A_256 = arith.constant 0 : i32
      %parallel_loop3A_257 = arith.constant 128 : i32
      %parallel_loop3A_258 = arith.constant 1 : i32
      %parallel_loop3A_259 = arith.constant 50176 : i32
      scf.for %parallel_loop3A_297 = %parallel_loop3A_256 to %parallel_loop3A_257 step %parallel_loop3A_258  : i32 {
        %parallel_loop3A_298 = arith.constant 32 : i32
        %parallel_loop3A_299 = arith.muli %parallel_loop3A_297, %parallel_loop3A_298 : i32
        %parallel_loop3A_300 = arith.constant 0 : i32
        %parallel_loop3A_301 = arith.index_cast %parallel_loop3A_300 : i32 to index
        %parallel_loop3A_302 = arith.index_cast %parallel_loop3A_299 : i32 to index
        %parallel_loop3A_303 = tpu.vector_load %arg10[%parallel_loop3A_301, %parallel_loop3A_302] {strides = array<i32>} : memref<4x4096xi32, #tpu.memory_space<vmem>>, vector<16xi32>,
        %parallel_loop3A_304 = arith.constant 32 : i32
        %parallel_loop3A_305 = arith.muli %parallel_loop3A_297, %parallel_loop3A_304 : i32
        %parallel_loop3A_306 = arith.constant 16 : i32
        %parallel_loop3A_307 = arith.addi %parallel_loop3A_305, %parallel_loop3A_306 : i32
        %parallel_loop3A_308 = arith.constant 0 : i32
        %parallel_loop3A_309 = arith.index_cast %parallel_loop3A_308 : i32 to index
        %parallel_loop3A_310 = arith.index_cast %parallel_loop3A_307 : i32 to index
        %parallel_loop3A_311 = tpu.vector_load %arg10[%parallel_loop3A_309, %parallel_loop3A_310] {strides = array<i32>} : memref<4x4096xi32, #tpu.memory_space<vmem>>, vector<16xi32>,
        %parallel_loop3A_312 = vector.broadcast %parallel_loop3A_259 : i32 to vector<16xi32>
        %parallel_loop3A_313 = arith.subi %parallel_loop3A_303, %parallel_loop3A_312 : vector<16xi32>
        %parallel_loop3A_314 = vector.broadcast %parallel_loop3A_259 : i32 to vector<16xi32>
        %parallel_loop3A_315 = arith.subi %parallel_loop3A_311, %parallel_loop3A_314 : vector<16xi32>
        %parallel_loop3A_316 = vector.bitcast %parallel_loop3A_313 : vector<16xi32> to vector<16xi32>
        %parallel_loop3A_317 = arith.constant 49824 : i32
        %parallel_loop3A_318 = vector.broadcast %parallel_loop3A_317 : i32 to vector<16xi32>
        %parallel_loop3A_319 = arith.cmpi ult, %parallel_loop3A_316, %parallel_loop3A_318 : vector<16xi32>
        %parallel_loop3A_320 = vector.bitcast %parallel_loop3A_315 : vector<16xi32> to vector<16xi32>
        %parallel_loop3A_321 = arith.constant 49824 : i32
        %parallel_loop3A_322 = vector.broadcast %parallel_loop3A_321 : i32 to vector<16xi32>
        %parallel_loop3A_323 = arith.cmpi ult, %parallel_loop3A_320, %parallel_loop3A_322 : vector<16xi32>
        %parallel_loop3A_324 = tpu.vector_load_idx %arg8[%parallel_loop3A_313] masked %parallel_loop3A_319 : memref<49920xf32, #tpu.memory_space<vmem>>[vector<16xi32>], vector<16xf32>, vector<16xi1>
        %parallel_loop3A_325 = tpu.vector_load_idx %arg8[%parallel_loop3A_315] masked %parallel_loop3A_323 : memref<49920xf32, #tpu.memory_space<vmem>>[vector<16xi32>], vector<16xf32>, vector<16xi1>
        %parallel_loop3A_326 = arith.constant 0.000000e+00 : f32
        %parallel_loop3A_327 = vector.broadcast %parallel_loop3A_326 : f32 to vector<16xf32>
        %parallel_loop3A_328 = arith.select %parallel_loop3A_319, %parallel_loop3A_324, %parallel_loop3A_327 : vector<16xi1>, vector<16xf32>
        %parallel_loop3A_329 = arith.constant 0.000000e+00 : f32
        %parallel_loop3A_330 = vector.broadcast %parallel_loop3A_329 : f32 to vector<16xf32>
        %parallel_loop3A_331 = arith.select %parallel_loop3A_323, %parallel_loop3A_325, %parallel_loop3A_330 : vector<16xi1>, vector<16xf32>
        %parallel_loop3A_332 = arith.constant 16 : i32
        %parallel_loop3A_333 = arith.muli %parallel_loop3A_297, %parallel_loop3A_332 : i32
        %parallel_loop3A_334 = arith.constant 0 : i32
        %parallel_loop3A_335 = arith.addi %parallel_loop3A_334, %parallel_loop3A_333 : i32
        %parallel_loop3A_336 = arith.index_cast %parallel_loop3A_335 : i32 to index
        %parallel_loop3A_337 = tpu.vector_load %arg9[%parallel_loop3A_336] {strides = array<i32>} : memref<8192xi32, #tpu.memory_space<vmem>>, vector<16xi32>,
        %parallel_loop3A_338 = vector.bitcast %parallel_loop3A_337 : vector<16xi32> to vector<32xbf16>
        %parallel_loop3A_339 = tpu.unpack_subelements %parallel_loop3A_338, 0 {pack_format = #tpu.pack_format<interleaved>} : vector<32xbf16> -> vector<16xf32>
        %parallel_loop3A_340 = tpu.unpack_subelements %parallel_loop3A_338, 1 {pack_format = #tpu.pack_format<interleaved>} : vector<32xbf16> -> vector<16xf32>
        %parallel_loop3A_341 = arith.addf %parallel_loop3A_339, %parallel_loop3A_328 : vector<16xf32>
        %parallel_loop3A_342 = arith.addf %parallel_loop3A_340, %parallel_loop3A_331 : vector<16xf32>
        %parallel_loop3A_343 = tpu.pack_subelements %parallel_loop3A_341, %parallel_loop3A_342 {pack_format = #tpu.pack_format<interleaved>, positions = array<i32: 0, 1>} : vector<16xf32>, vector<16xf32> -> vector<32xbf16>
        %parallel_loop3A_344 = vector.bitcast %parallel_loop3A_343 : vector<32xbf16> to vector<16xi32>
        %parallel_loop3A_345 = arith.constant 16 : i32
        %parallel_loop3A_346 = arith.muli %parallel_loop3A_297, %parallel_loop3A_345 : i32
        %parallel_loop3A_347 = arith.constant 0 : i32
        %parallel_loop3A_348 = arith.addi %parallel_loop3A_347, %parallel_loop3A_346 : i32
        %parallel_loop3A_349 = arith.index_cast %parallel_loop3A_348 : i32 to index
        %parallel_loop3A_350 = tpu.vector_load %arg9[%parallel_loop3A_349] {strides = array<i32>} : memref<8192xi32, #tpu.memory_space<vmem>>, vector<16xi32>,
        tpu.vector_store %arg9[%parallel_loop3A_349], %parallel_loop3A_344 {strides = array<i32>} : memref<8192xi32, #tpu.memory_space<vmem>>, vector<16xi32>,
      } {sc.loop_unroll_factor = 4 : i64, sc.parallel_access}
      %lt3A_260 = arith.constant 25 : i32
      %lt3A_261 = arith.cmpi slt, %scan3A_122, %lt3A_260 : i32
      %convert_element_type3A_262 = arith.extui %lt3A_261 : i1 to i32
      %cond3A_263 = arith.constant 0 : i32
      %cond3A_264 = arith.cmpi ne, %convert_element_type3A_262, %cond3A_263 : i32
      scf.if %cond3A_264 {
        %add3A_297 = arith.constant 1 : i32
        %add3A_298 = arith.addi %scan3A_122, %add3A_297 : i32
        %dma_start3A_299 = arith.constant 0 : i32
        %dma_start3A_300 = arith.constant 0 : i32
        %dma_start3A_301 = tpu.memref_slice %arg10[%dma_start3A_299, %dma_start3A_300] : memref<4x4096xi32, #tpu.memory_space<vmem>> -> memref<1x4096xi32, #tpu.memory_space<vmem>>
        %dma_start3A_302 = tpu.memref_squeeze %dma_start3A_301 : memref<1x4096xi32, #tpu.memory_space<vmem>> -> memref<4096xi32, #tpu.memory_space<vmem>>
        %dma_start3A_303 = arith.constant 0 : i32
        %dma_start3A_304 = tpu.memref_slice %arg4[%add3A_298, %dma_start3A_303] : memref<26x16384xi32, #tpu.memory_space<hbm>> -> memref<1x4096xi32, #tpu.memory_space<hbm>>
        %dma_start3A_305 = tpu.memref_squeeze %dma_start3A_304 : memref<1x4096xi32, #tpu.memory_space<hbm>> -> memref<4096xi32, #tpu.memory_space<hbm>>
        %dma_start3A_306 = arith.constant 0 : i32
        %dma_start3A_307 = tpu.memref_slice %arg10[%dma_start3A_299, %dma_start3A_306] : memref<4x4096xi32, #tpu.memory_space<vmem>> -> memref<1x4096xi32, #tpu.memory_space<vmem>>
        %dma_start3A_308 = tpu.memref_squeeze %dma_start3A_307 : memref<1x4096xi32, #tpu.memory_space<vmem>> -> memref<4096xi32, #tpu.memory_space<vmem>>
        %dma_start3A_309 = arith.constant 0 : i32
        %dma_start3A_310 = tpu.memref_slice %arg4[%add3A_298, %dma_start3A_309] : memref<26x16384xi32, #tpu.memory_space<hbm>> -> memref<1x4096xi32, #tpu.memory_space<hbm>>
        %dma_start3A_311 = tpu.memref_squeeze %dma_start3A_310 : memref<1x4096xi32, #tpu.memory_space<hbm>> -> memref<4096xi32, #tpu.memory_space<hbm>>
        tpu.enqueue_dma source(%dma_start3A_311 : memref<4096xi32, #tpu.memory_space<hbm>>) target(%dma_start3A_308 : memref<4096xi32, #tpu.memory_space<vmem>>) target_semaphore(%arg13 : memref<!tpu.dma_semaphore, #tpu.memory_space<semaphore_mem>>)
      } else {
      }
      %parallel_loop3A_265 = arith.constant 0 : i32
      %parallel_loop3A_266 = arith.constant 128 : i32
      %parallel_loop3A_267 = arith.constant 1 : i32
      %parallel_loop3A_268 = arith.constant 50176 : i32
      scf.for %parallel_loop3A_297 = %parallel_loop3A_265 to %parallel_loop3A_266 step %parallel_loop3A_267  : i32 {
        %parallel_loop3A_298 = arith.constant 32 : i32
        %parallel_loop3A_299 = arith.muli %parallel_loop3A_297, %parallel_loop3A_298 : i32
        %parallel_loop3A_300 = arith.constant 1 : i32
        %parallel_loop3A_301 = arith.index_cast %parallel_loop3A_300 : i32 to index
        %parallel_loop3A_302 = arith.index_cast %parallel_loop3A_299 : i32 to index
        %parallel_loop3A_303 = tpu.vector_load %arg10[%parallel_loop3A_301, %parallel_loop3A_302] {strides = array<i32>} : memref<4x4096xi32, #tpu.memory_space<vmem>>, vector<16xi32>,
        %parallel_loop3A_304 = arith.constant 32 : i32
        %parallel_loop3A_305 = arith.muli %parallel_loop3A_297, %parallel_loop3A_304 : i32
        %parallel_loop3A_306 = arith.constant 16 : i32
        %parallel_loop3A_307 = arith.addi %parallel_loop3A_305, %parallel_loop3A_306 : i32
        %parallel_loop3A_308 = arith.constant 1 : i32
        %parallel_loop3A_309 = arith.index_cast %parallel_loop3A_308 : i32 to index
        %parallel_loop3A_310 = arith.index_cast %parallel_loop3A_307 : i32 to index
        %parallel_loop3A_311 = tpu.vector_load %arg10[%parallel_loop3A_309, %parallel_loop3A_310] {strides = array<i32>} : memref<4x4096xi32, #tpu.memory_space<vmem>>, vector<16xi32>,
        %parallel_loop3A_312 = vector.broadcast %parallel_loop3A_268 : i32 to vector<16xi32>
        %parallel_loop3A_313 = arith.subi %parallel_loop3A_303, %parallel_loop3A_312 : vector<16xi32>
        %parallel_loop3A_314 = vector.broadcast %parallel_loop3A_268 : i32 to vector<16xi32>
        %parallel_loop3A_315 = arith.subi %parallel_loop3A_311, %parallel_loop3A_314 : vector<16xi32>
        %parallel_loop3A_316 = vector.bitcast %parallel_loop3A_313 : vector<16xi32> to vector<16xi32>
        %parallel_loop3A_317 = arith.constant 49824 : i32
        %parallel_loop3A_318 = vector.broadcast %parallel_loop3A_317 : i32 to vector<16xi32>
        %parallel_loop3A_319 = arith.cmpi ult, %parallel_loop3A_316, %parallel_loop3A_318 : vector<16xi32>
        %parallel_loop3A_320 = vector.bitcast %parallel_loop3A_315 : vector<16xi32> to vector<16xi32>
        %parallel_loop3A_321 = arith.constant 49824 : i32
        %parallel_loop3A_322 = vector.broadcast %parallel_loop3A_321 : i32 to vector<16xi32>
        %parallel_loop3A_323 = arith.cmpi ult, %parallel_loop3A_320, %parallel_loop3A_322 : vector<16xi32>
        %parallel_loop3A_324 = tpu.vector_load_idx %arg8[%parallel_loop3A_313] masked %parallel_loop3A_319 : memref<49920xf32, #tpu.memory_space<vmem>>[vector<16xi32>], vector<16xf32>, vector<16xi1>
        %parallel_loop3A_325 = tpu.vector_load_idx %arg8[%parallel_loop3A_315] masked %parallel_loop3A_323 : memref<49920xf32, #tpu.memory_space<vmem>>[vector<16xi32>], vector<16xf32>, vector<16xi1>
        %parallel_loop3A_326 = arith.constant 0.000000e+00 : f32
        %parallel_loop3A_327 = vector.broadcast %parallel_loop3A_326 : f32 to vector<16xf32>
        %parallel_loop3A_328 = arith.select %parallel_loop3A_319, %parallel_loop3A_324, %parallel_loop3A_327 : vector<16xi1>, vector<16xf32>
        %parallel_loop3A_329 = arith.constant 0.000000e+00 : f32
        %parallel_loop3A_330 = vector.broadcast %parallel_loop3A_329 : f32 to vector<16xf32>
        %parallel_loop3A_331 = arith.select %parallel_loop3A_323, %parallel_loop3A_325, %parallel_loop3A_330 : vector<16xi1>, vector<16xf32>
        %parallel_loop3A_332 = arith.constant 16 : i32
        %parallel_loop3A_333 = arith.muli %parallel_loop3A_297, %parallel_loop3A_332 : i32
        %parallel_loop3A_334 = arith.constant 2048 : i32
        %parallel_loop3A_335 = arith.addi %parallel_loop3A_334, %parallel_loop3A_333 : i32
        %parallel_loop3A_336 = arith.index_cast %parallel_loop3A_335 : i32 to index
        %parallel_loop3A_337 = tpu.vector_load %arg9[%parallel_loop3A_336] {strides = array<i32>} : memref<8192xi32, #tpu.memory_space<vmem>>, vector<16xi32>,
        %parallel_loop3A_338 = vector.bitcast %parallel_loop3A_337 : vector<16xi32> to vector<32xbf16>
        %parallel_loop3A_339 = tpu.unpack_subelements %parallel_loop3A_338, 0 {pack_format = #tpu.pack_format<interleaved>} : vector<32xbf16> -> vector<16xf32>
        %parallel_loop3A_340 = tpu.unpack_subelements %parallel_loop3A_338, 1 {pack_format = #tpu.pack_format<interleaved>} : vector<32xbf16> -> vector<16xf32>
        %parallel_loop3A_341 = arith.addf %parallel_loop3A_339, %parallel_loop3A_328 : vector<16xf32>
        %parallel_loop3A_342 = arith.addf %parallel_loop3A_340, %parallel_loop3A_331 : vector<16xf32>
        %parallel_loop3A_343 = tpu.pack_subelements %parallel_loop3A_341, %parallel_loop3A_342 {pack_format = #tpu.pack_format<interleaved>, positions = array<i32: 0, 1>} : vector<16xf32>, vector<16xf32> -> vector<32xbf16>
        %parallel_loop3A_344 = vector.bitcast %parallel_loop3A_343 : vector<32xbf16> to vector<16xi32>
        %parallel_loop3A_345 = arith.constant 16 : i32
        %parallel_loop3A_346 = arith.muli %parallel_loop3A_297, %parallel_loop3A_345 : i32
        %parallel_loop3A_347 = arith.constant 2048 : i32
        %parallel_loop3A_348 = arith.addi %parallel_loop3A_347, %parallel_loop3A_346 : i32
        %parallel_loop3A_349 = arith.index_cast %parallel_loop3A_348 : i32 to index
        %parallel_loop3A_350 = tpu.vector_load %arg9[%parallel_loop3A_349] {strides = array<i32>} : memref<8192xi32, #tpu.memory_space<vmem>>, vector<16xi32>,
        tpu.vector_store %arg9[%parallel_loop3A_349], %parallel_loop3A_344 {strides = array<i32>} : memref<8192xi32, #tpu.memory_space<vmem>>, vector<16xi32>,
      } {sc.loop_unroll_factor = 4 : i64, sc.parallel_access}
      %lt3A_269 = arith.constant 25 : i32
      %lt3A_270 = arith.cmpi slt, %scan3A_122, %lt3A_269 : i32
      %convert_element_type3A_271 = arith.extui %lt3A_270 : i1 to i32
      %cond3A_272 = arith.constant 0 : i32
      %cond3A_273 = arith.cmpi ne, %convert_element_type3A_271, %cond3A_272 : i32
      scf.if %cond3A_273 {
        %add3A_297 = arith.constant 1 : i32
        %add3A_298 = arith.addi %scan3A_122, %add3A_297 : i32
        %dma_start3A_299 = arith.constant 1 : i32
        %dma_start3A_300 = arith.constant 0 : i32
        %dma_start3A_301 = tpu.memref_slice %arg10[%dma_start3A_299, %dma_start3A_300] : memref<4x4096xi32, #tpu.memory_space<vmem>> -> memref<1x4096xi32, #tpu.memory_space<vmem>>
        %dma_start3A_302 = tpu.memref_squeeze %dma_start3A_301 : memref<1x4096xi32, #tpu.memory_space<vmem>> -> memref<4096xi32, #tpu.memory_space<vmem>>
        %dma_start3A_303 = arith.constant 4096 : i32
        %dma_start3A_304 = tpu.memref_slice %arg4[%add3A_298, %dma_start3A_303] : memref<26x16384xi32, #tpu.memory_space<hbm>> -> memref<1x4096xi32, #tpu.memory_space<hbm>>
        %dma_start3A_305 = tpu.memref_squeeze %dma_start3A_304 : memref<1x4096xi32, #tpu.memory_space<hbm>> -> memref<4096xi32, #tpu.memory_space<hbm>>
        %dma_start3A_306 = arith.constant 0 : i32
        %dma_start3A_307 = tpu.memref_slice %arg10[%dma_start3A_299, %dma_start3A_306] : memref<4x4096xi32, #tpu.memory_space<vmem>> -> memref<1x4096xi32, #tpu.memory_space<vmem>>
        %dma_start3A_308 = tpu.memref_squeeze %dma_start3A_307 : memref<1x4096xi32, #tpu.memory_space<vmem>> -> memref<4096xi32, #tpu.memory_space<vmem>>
        %dma_start3A_309 = arith.constant 4096 : i32
        %dma_start3A_310 = tpu.memref_slice %arg4[%add3A_298, %dma_start3A_309] : memref<26x16384xi32, #tpu.memory_space<hbm>> -> memref<1x4096xi32, #tpu.memory_space<hbm>>
        %dma_start3A_311 = tpu.memref_squeeze %dma_start3A_310 : memref<1x4096xi32, #tpu.memory_space<hbm>> -> memref<4096xi32, #tpu.memory_space<hbm>>
        tpu.enqueue_dma source(%dma_start3A_311 : memref<4096xi32, #tpu.memory_space<hbm>>) target(%dma_start3A_308 : memref<4096xi32, #tpu.memory_space<vmem>>) target_semaphore(%arg13 : memref<!tpu.dma_semaphore, #tpu.memory_space<semaphore_mem>>)
      } else {
      }
      %parallel_loop3A_274 = arith.constant 0 : i32
      %parallel_loop3A_275 = arith.constant 128 : i32
      %parallel_loop3A_276 = arith.constant 1 : i32
      %parallel_loop3A_277 = arith.constant 50176 : i32
      scf.for %parallel_loop3A_297 = %parallel_loop3A_274 to %parallel_loop3A_275 step %parallel_loop3A_276  : i32 {
        %parallel_loop3A_298 = arith.constant 32 : i32
        %parallel_loop3A_299 = arith.muli %parallel_loop3A_297, %parallel_loop3A_298 : i32
        %parallel_loop3A_300 = arith.constant 2 : i32
        %parallel_loop3A_301 = arith.index_cast %parallel_loop3A_300 : i32 to index
        %parallel_loop3A_302 = arith.index_cast %parallel_loop3A_299 : i32 to index
        %parallel_loop3A_303 = tpu.vector_load %arg10[%parallel_loop3A_301, %parallel_loop3A_302] {strides = array<i32>} : memref<4x4096xi32, #tpu.memory_space<vmem>>, vector<16xi32>,
        %parallel_loop3A_304 = arith.constant 32 : i32
        %parallel_loop3A_305 = arith.muli %parallel_loop3A_297, %parallel_loop3A_304 : i32
        %parallel_loop3A_306 = arith.constant 16 : i32
        %parallel_loop3A_307 = arith.addi %parallel_loop3A_305, %parallel_loop3A_306 : i32
        %parallel_loop3A_308 = arith.constant 2 : i32
        %parallel_loop3A_309 = arith.index_cast %parallel_loop3A_308 : i32 to index
        %parallel_loop3A_310 = arith.index_cast %parallel_loop3A_307 : i32 to index
        %parallel_loop3A_311 = tpu.vector_load %arg10[%parallel_loop3A_309, %parallel_loop3A_310] {strides = array<i32>} : memref<4x4096xi32, #tpu.memory_space<vmem>>, vector<16xi32>,
        %parallel_loop3A_312 = vector.broadcast %parallel_loop3A_277 : i32 to vector<16xi32>
        %parallel_loop3A_313 = arith.subi %parallel_loop3A_303, %parallel_loop3A_312 : vector<16xi32>
        %parallel_loop3A_314 = vector.broadcast %parallel_loop3A_277 : i32 to vector<16xi32>
        %parallel_loop3A_315 = arith.subi %parallel_loop3A_311, %parallel_loop3A_314 : vector<16xi32>
        %parallel_loop3A_316 = vector.bitcast %parallel_loop3A_313 : vector<16xi32> to vector<16xi32>
        %parallel_loop3A_317 = arith.constant 49824 : i32
        %parallel_loop3A_318 = vector.broadcast %parallel_loop3A_317 : i32 to vector<16xi32>
        %parallel_loop3A_319 = arith.cmpi ult, %parallel_loop3A_316, %parallel_loop3A_318 : vector<16xi32>
        %parallel_loop3A_320 = vector.bitcast %parallel_loop3A_315 : vector<16xi32> to vector<16xi32>
        %parallel_loop3A_321 = arith.constant 49824 : i32
        %parallel_loop3A_322 = vector.broadcast %parallel_loop3A_321 : i32 to vector<16xi32>
        %parallel_loop3A_323 = arith.cmpi ult, %parallel_loop3A_320, %parallel_loop3A_322 : vector<16xi32>
        %parallel_loop3A_324 = tpu.vector_load_idx %arg8[%parallel_loop3A_313] masked %parallel_loop3A_319 : memref<49920xf32, #tpu.memory_space<vmem>>[vector<16xi32>], vector<16xf32>, vector<16xi1>
        %parallel_loop3A_325 = tpu.vector_load_idx %arg8[%parallel_loop3A_315] masked %parallel_loop3A_323 : memref<49920xf32, #tpu.memory_space<vmem>>[vector<16xi32>], vector<16xf32>, vector<16xi1>
        %parallel_loop3A_326 = arith.constant 0.000000e+00 : f32
        %parallel_loop3A_327 = vector.broadcast %parallel_loop3A_326 : f32 to vector<16xf32>
        %parallel_loop3A_328 = arith.select %parallel_loop3A_319, %parallel_loop3A_324, %parallel_loop3A_327 : vector<16xi1>, vector<16xf32>
        %parallel_loop3A_329 = arith.constant 0.000000e+00 : f32
        %parallel_loop3A_330 = vector.broadcast %parallel_loop3A_329 : f32 to vector<16xf32>
        %parallel_loop3A_331 = arith.select %parallel_loop3A_323, %parallel_loop3A_325, %parallel_loop3A_330 : vector<16xi1>, vector<16xf32>
        %parallel_loop3A_332 = arith.constant 16 : i32
        %parallel_loop3A_333 = arith.muli %parallel_loop3A_297, %parallel_loop3A_332 : i32
        %parallel_loop3A_334 = arith.constant 4096 : i32
        %parallel_loop3A_335 = arith.addi %parallel_loop3A_334, %parallel_loop3A_333 : i32
        %parallel_loop3A_336 = arith.index_cast %parallel_loop3A_335 : i32 to index
        %parallel_loop3A_337 = tpu.vector_load %arg9[%parallel_loop3A_336] {strides = array<i32>} : memref<8192xi32, #tpu.memory_space<vmem>>, vector<16xi32>,
        %parallel_loop3A_338 = vector.bitcast %parallel_loop3A_337 : vector<16xi32> to vector<32xbf16>
        %parallel_loop3A_339 = tpu.unpack_subelements %parallel_loop3A_338, 0 {pack_format = #tpu.pack_format<interleaved>} : vector<32xbf16> -> vector<16xf32>
        %parallel_loop3A_340 = tpu.unpack_subelements %parallel_loop3A_338, 1 {pack_format = #tpu.pack_format<interleaved>} : vector<32xbf16> -> vector<16xf32>
        %parallel_loop3A_341 = arith.addf %parallel_loop3A_339, %parallel_loop3A_328 : vector<16xf32>
        %parallel_loop3A_342 = arith.addf %parallel_loop3A_340, %parallel_loop3A_331 : vector<16xf32>
        %parallel_loop3A_343 = tpu.pack_subelements %parallel_loop3A_341, %parallel_loop3A_342 {pack_format = #tpu.pack_format<interleaved>, positions = array<i32: 0, 1>} : vector<16xf32>, vector<16xf32> -> vector<32xbf16>
        %parallel_loop3A_344 = vector.bitcast %parallel_loop3A_343 : vector<32xbf16> to vector<16xi32>
        %parallel_loop3A_345 = arith.constant 16 : i32
        %parallel_loop3A_346 = arith.muli %parallel_loop3A_297, %parallel_loop3A_345 : i32
        %parallel_loop3A_347 = arith.constant 4096 : i32
        %parallel_loop3A_348 = arith.addi %parallel_loop3A_347, %parallel_loop3A_346 : i32
        %parallel_loop3A_349 = arith.index_cast %parallel_loop3A_348 : i32 to index
        %parallel_loop3A_350 = tpu.vector_load %arg9[%parallel_loop3A_349] {strides = array<i32>} : memref<8192xi32, #tpu.memory_space<vmem>>, vector<16xi32>,
        tpu.vector_store %arg9[%parallel_loop3A_349], %parallel_loop3A_344 {strides = array<i32>} : memref<8192xi32, #tpu.memory_space<vmem>>, vector<16xi32>,
      } {sc.loop_unroll_factor = 4 : i64, sc.parallel_access}
      %lt3A_278 = arith.constant 25 : i32
      %lt3A_279 = arith.cmpi slt, %scan3A_122, %lt3A_278 : i32
      %convert_element_type3A_280 = arith.extui %lt3A_279 : i1 to i32
      %cond3A_281 = arith.constant 0 : i32
      %cond3A_282 = arith.cmpi ne, %convert_element_type3A_280, %cond3A_281 : i32
      scf.if %cond3A_282 {
        %add3A_297 = arith.constant 1 : i32
        %add3A_298 = arith.addi %scan3A_122, %add3A_297 : i32
        %dma_start3A_299 = arith.constant 2 : i32
        %dma_start3A_300 = arith.constant 0 : i32
        %dma_start3A_301 = tpu.memref_slice %arg10[%dma_start3A_299, %dma_start3A_300] : memref<4x4096xi32, #tpu.memory_space<vmem>> -> memref<1x4096xi32, #tpu.memory_space<vmem>>
        %dma_start3A_302 = tpu.memref_squeeze %dma_start3A_301 : memref<1x4096xi32, #tpu.memory_space<vmem>> -> memref<4096xi32, #tpu.memory_space<vmem>>
        %dma_start3A_303 = arith.constant 8192 : i32
        %dma_start3A_304 = tpu.memref_slice %arg4[%add3A_298, %dma_start3A_303] : memref<26x16384xi32, #tpu.memory_space<hbm>> -> memref<1x4096xi32, #tpu.memory_space<hbm>>
        %dma_start3A_305 = tpu.memref_squeeze %dma_start3A_304 : memref<1x4096xi32, #tpu.memory_space<hbm>> -> memref<4096xi32, #tpu.memory_space<hbm>>
        %dma_start3A_306 = arith.constant 0 : i32
        %dma_start3A_307 = tpu.memref_slice %arg10[%dma_start3A_299, %dma_start3A_306] : memref<4x4096xi32, #tpu.memory_space<vmem>> -> memref<1x4096xi32, #tpu.memory_space<vmem>>
        %dma_start3A_308 = tpu.memref_squeeze %dma_start3A_307 : memref<1x4096xi32, #tpu.memory_space<vmem>> -> memref<4096xi32, #tpu.memory_space<vmem>>
        %dma_start3A_309 = arith.constant 8192 : i32
        %dma_start3A_310 = tpu.memref_slice %arg4[%add3A_298, %dma_start3A_309] : memref<26x16384xi32, #tpu.memory_space<hbm>> -> memref<1x4096xi32, #tpu.memory_space<hbm>>
        %dma_start3A_311 = tpu.memref_squeeze %dma_start3A_310 : memref<1x4096xi32, #tpu.memory_space<hbm>> -> memref<4096xi32, #tpu.memory_space<hbm>>
        tpu.enqueue_dma source(%dma_start3A_311 : memref<4096xi32, #tpu.memory_space<hbm>>) target(%dma_start3A_308 : memref<4096xi32, #tpu.memory_space<vmem>>) target_semaphore(%arg13 : memref<!tpu.dma_semaphore, #tpu.memory_space<semaphore_mem>>)
      } else {
      }
      %parallel_loop3A_283 = arith.constant 0 : i32
      %parallel_loop3A_284 = arith.constant 128 : i32
      %parallel_loop3A_285 = arith.constant 1 : i32
      %parallel_loop3A_286 = arith.constant 50176 : i32
      scf.for %parallel_loop3A_297 = %parallel_loop3A_283 to %parallel_loop3A_284 step %parallel_loop3A_285  : i32 {
        %parallel_loop3A_298 = arith.constant 32 : i32
        %parallel_loop3A_299 = arith.muli %parallel_loop3A_297, %parallel_loop3A_298 : i32
        %parallel_loop3A_300 = arith.constant 3 : i32
        %parallel_loop3A_301 = arith.index_cast %parallel_loop3A_300 : i32 to index
        %parallel_loop3A_302 = arith.index_cast %parallel_loop3A_299 : i32 to index
        %parallel_loop3A_303 = tpu.vector_load %arg10[%parallel_loop3A_301, %parallel_loop3A_302] {strides = array<i32>} : memref<4x4096xi32, #tpu.memory_space<vmem>>, vector<16xi32>,
        %parallel_loop3A_304 = arith.constant 32 : i32
        %parallel_loop3A_305 = arith.muli %parallel_loop3A_297, %parallel_loop3A_304 : i32
        %parallel_loop3A_306 = arith.constant 16 : i32
        %parallel_loop3A_307 = arith.addi %parallel_loop3A_305, %parallel_loop3A_306 : i32
        %parallel_loop3A_308 = arith.constant 3 : i32
        %parallel_loop3A_309 = arith.index_cast %parallel_loop3A_308 : i32 to index
        %parallel_loop3A_310 = arith.index_cast %parallel_loop3A_307 : i32 to index
        %parallel_loop3A_311 = tpu.vector_load %arg10[%parallel_loop3A_309, %parallel_loop3A_310] {strides = array<i32>} : memref<4x4096xi32, #tpu.memory_space<vmem>>, vector<16xi32>,
        %parallel_loop3A_312 = vector.broadcast %parallel_loop3A_286 : i32 to vector<16xi32>
        %parallel_loop3A_313 = arith.subi %parallel_loop3A_303, %parallel_loop3A_312 : vector<16xi32>
        %parallel_loop3A_314 = vector.broadcast %parallel_loop3A_286 : i32 to vector<16xi32>
        %parallel_loop3A_315 = arith.subi %parallel_loop3A_311, %parallel_loop3A_314 : vector<16xi32>
        %parallel_loop3A_316 = vector.bitcast %parallel_loop3A_313 : vector<16xi32> to vector<16xi32>
        %parallel_loop3A_317 = arith.constant 49824 : i32
        %parallel_loop3A_318 = vector.broadcast %parallel_loop3A_317 : i32 to vector<16xi32>
        %parallel_loop3A_319 = arith.cmpi ult, %parallel_loop3A_316, %parallel_loop3A_318 : vector<16xi32>
        %parallel_loop3A_320 = vector.bitcast %parallel_loop3A_315 : vector<16xi32> to vector<16xi32>
        %parallel_loop3A_321 = arith.constant 49824 : i32
        %parallel_loop3A_322 = vector.broadcast %parallel_loop3A_321 : i32 to vector<16xi32>
        %parallel_loop3A_323 = arith.cmpi ult, %parallel_loop3A_320, %parallel_loop3A_322 : vector<16xi32>
        %parallel_loop3A_324 = tpu.vector_load_idx %arg8[%parallel_loop3A_313] masked %parallel_loop3A_319 : memref<49920xf32, #tpu.memory_space<vmem>>[vector<16xi32>], vector<16xf32>, vector<16xi1>
        %parallel_loop3A_325 = tpu.vector_load_idx %arg8[%parallel_loop3A_315] masked %parallel_loop3A_323 : memref<49920xf32, #tpu.memory_space<vmem>>[vector<16xi32>], vector<16xf32>, vector<16xi1>
        %parallel_loop3A_326 = arith.constant 0.000000e+00 : f32
        %parallel_loop3A_327 = vector.broadcast %parallel_loop3A_326 : f32 to vector<16xf32>
        %parallel_loop3A_328 = arith.select %parallel_loop3A_319, %parallel_loop3A_324, %parallel_loop3A_327 : vector<16xi1>, vector<16xf32>
        %parallel_loop3A_329 = arith.constant 0.000000e+00 : f32
        %parallel_loop3A_330 = vector.broadcast %parallel_loop3A_329 : f32 to vector<16xf32>
        %parallel_loop3A_331 = arith.select %parallel_loop3A_323, %parallel_loop3A_325, %parallel_loop3A_330 : vector<16xi1>, vector<16xf32>
        %parallel_loop3A_332 = arith.constant 16 : i32
        %parallel_loop3A_333 = arith.muli %parallel_loop3A_297, %parallel_loop3A_332 : i32
        %parallel_loop3A_334 = arith.constant 6144 : i32
        %parallel_loop3A_335 = arith.addi %parallel_loop3A_334, %parallel_loop3A_333 : i32
        %parallel_loop3A_336 = arith.index_cast %parallel_loop3A_335 : i32 to index
        %parallel_loop3A_337 = tpu.vector_load %arg9[%parallel_loop3A_336] {strides = array<i32>} : memref<8192xi32, #tpu.memory_space<vmem>>, vector<16xi32>,
        %parallel_loop3A_338 = vector.bitcast %parallel_loop3A_337 : vector<16xi32> to vector<32xbf16>
        %parallel_loop3A_339 = tpu.unpack_subelements %parallel_loop3A_338, 0 {pack_format = #tpu.pack_format<interleaved>} : vector<32xbf16> -> vector<16xf32>
        %parallel_loop3A_340 = tpu.unpack_subelements %parallel_loop3A_338, 1 {pack_format = #tpu.pack_format<interleaved>} : vector<32xbf16> -> vector<16xf32>
        %parallel_loop3A_341 = arith.addf %parallel_loop3A_339, %parallel_loop3A_328 : vector<16xf32>
        %parallel_loop3A_342 = arith.addf %parallel_loop3A_340, %parallel_loop3A_331 : vector<16xf32>
        %parallel_loop3A_343 = tpu.pack_subelements %parallel_loop3A_341, %parallel_loop3A_342 {pack_format = #tpu.pack_format<interleaved>, positions = array<i32: 0, 1>} : vector<16xf32>, vector<16xf32> -> vector<32xbf16>
        %parallel_loop3A_344 = vector.bitcast %parallel_loop3A_343 : vector<32xbf16> to vector<16xi32>
        %parallel_loop3A_345 = arith.constant 16 : i32
        %parallel_loop3A_346 = arith.muli %parallel_loop3A_297, %parallel_loop3A_345 : i32
        %parallel_loop3A_347 = arith.constant 6144 : i32
        %parallel_loop3A_348 = arith.addi %parallel_loop3A_347, %parallel_loop3A_346 : i32
        %parallel_loop3A_349 = arith.index_cast %parallel_loop3A_348 : i32 to index
        %parallel_loop3A_350 = tpu.vector_load %arg9[%parallel_loop3A_349] {strides = array<i32>} : memref<8192xi32, #tpu.memory_space<vmem>>, vector<16xi32>,
        tpu.vector_store %arg9[%parallel_loop3A_349], %parallel_loop3A_344 {strides = array<i32>} : memref<8192xi32, #tpu.memory_space<vmem>>, vector<16xi32>,
      } {sc.loop_unroll_factor = 4 : i64, sc.parallel_access}
      %lt3A_287 = arith.constant 25 : i32
      %lt3A_288 = arith.cmpi slt, %scan3A_122, %lt3A_287 : i32
      %convert_element_type3A_289 = arith.extui %lt3A_288 : i1 to i32
      %cond3A_290 = arith.constant 0 : i32
      %cond3A_291 = arith.cmpi ne, %convert_element_type3A_289, %cond3A_290 : i32
      scf.if %cond3A_291 {
        %add3A_297 = arith.constant 1 : i32
        %add3A_298 = arith.addi %scan3A_122, %add3A_297 : i32
        %dma_start3A_299 = arith.constant 3 : i32
        %dma_start3A_300 = arith.constant 0 : i32
        %dma_start3A_301 = tpu.memref_slice %arg10[%dma_start3A_299, %dma_start3A_300] : memref<4x4096xi32, #tpu.memory_space<vmem>> -> memref<1x4096xi32, #tpu.memory_space<vmem>>
        %dma_start3A_302 = tpu.memref_squeeze %dma_start3A_301 : memref<1x4096xi32, #tpu.memory_space<vmem>> -> memref<4096xi32, #tpu.memory_space<vmem>>
        %dma_start3A_303 = arith.constant 12288 : i32
        %dma_start3A_304 = tpu.memref_slice %arg4[%add3A_298, %dma_start3A_303] : memref<26x16384xi32, #tpu.memory_space<hbm>> -> memref<1x4096xi32, #tpu.memory_space<hbm>>
        %dma_start3A_305 = tpu.memref_squeeze %dma_start3A_304 : memref<1x4096xi32, #tpu.memory_space<hbm>> -> memref<4096xi32, #tpu.memory_space<hbm>>
        %dma_start3A_306 = arith.constant 0 : i32
        %dma_start3A_307 = tpu.memref_slice %arg10[%dma_start3A_299, %dma_start3A_306] : memref<4x4096xi32, #tpu.memory_space<vmem>> -> memref<1x4096xi32, #tpu.memory_space<vmem>>
        %dma_start3A_308 = tpu.memref_squeeze %dma_start3A_307 : memref<1x4096xi32, #tpu.memory_space<vmem>> -> memref<4096xi32, #tpu.memory_space<vmem>>
        %dma_start3A_309 = arith.constant 12288 : i32
        %dma_start3A_310 = tpu.memref_slice %arg4[%add3A_298, %dma_start3A_309] : memref<26x16384xi32, #tpu.memory_space<hbm>> -> memref<1x4096xi32, #tpu.memory_space<hbm>>
        %dma_start3A_311 = tpu.memref_squeeze %dma_start3A_310 : memref<1x4096xi32, #tpu.memory_space<hbm>> -> memref<4096xi32, #tpu.memory_space<hbm>>
        tpu.enqueue_dma source(%dma_start3A_311 : memref<4096xi32, #tpu.memory_space<hbm>>) target(%dma_start3A_308 : memref<4096xi32, #tpu.memory_space<vmem>>) target_semaphore(%arg13 : memref<!tpu.dma_semaphore, #tpu.memory_space<semaphore_mem>>)
      } else {
      }
      %lt3A_292 = arith.constant 25 : i32
      %lt3A_293 = arith.cmpi slt, %scan3A_122, %lt3A_292 : i32
      %convert_element_type3A_294 = arith.extui %lt3A_293 : i1 to i32
      %cond3A_295 = arith.constant 0 : i32
      %cond3A_296 = arith.cmpi ne, %convert_element_type3A_294, %cond3A_295 : i32
      scf.if %cond3A_296 {
        %add3A_297 = arith.constant 1 : i32
        %add3A_298 = arith.addi %scan3A_122, %add3A_297 : i32
        %dma_start3A_299 = arith.constant 0 : i32
        %dma_start3A_300 = tpu.memref_slice %arg8[%dma_start3A_299] : memref<49920xf32, #tpu.memory_space<vmem>> -> memref<24960xf32, #tpu.memory_space<vmem>>
        %dma_start3A_301 = arith.constant 50176 : i32
        %dma_start3A_302 = tpu.memref_slice %arg2[%add3A_298, %add3A, %dma_start3A_301] : memref<26x32x100000xf32, #tpu.memory_space<hbm>> -> memref<1x1x24960xf32, #tpu.memory_space<hbm>>
        %dma_start3A_303 = tpu.memref_squeeze %dma_start3A_302 : memref<1x1x24960xf32, #tpu.memory_space<hbm>> -> memref<24960xf32, #tpu.memory_space<hbm>>
        %dma_start3A_304 = arith.constant 0 : i32
        %dma_start3A_305 = tpu.memref_slice %arg8[%dma_start3A_304] : memref<49920xf32, #tpu.memory_space<vmem>> -> memref<24960xf32, #tpu.memory_space<vmem>>
        %dma_start3A_306 = arith.constant 50176 : i32
        %dma_start3A_307 = tpu.memref_slice %arg2[%add3A_298, %add3A, %dma_start3A_306] : memref<26x32x100000xf32, #tpu.memory_space<hbm>> -> memref<1x1x24960xf32, #tpu.memory_space<hbm>>
        %dma_start3A_308 = tpu.memref_squeeze %dma_start3A_307 : memref<1x1x24960xf32, #tpu.memory_space<hbm>> -> memref<24960xf32, #tpu.memory_space<hbm>>
        tpu.enqueue_dma source(%dma_start3A_308 : memref<24960xf32, #tpu.memory_space<hbm>>) target(%dma_start3A_305 : memref<24960xf32, #tpu.memory_space<vmem>>) target_semaphore(%arg12 : memref<!tpu.dma_semaphore, #tpu.memory_space<semaphore_mem>>)
        %dma_start3A_309 = arith.constant 24960 : i32
        %dma_start3A_310 = tpu.memref_slice %arg8[%dma_start3A_309] : memref<49920xf32, #tpu.memory_space<vmem>> -> memref<24832xf32, #tpu.memory_space<vmem>>
        %dma_start3A_311 = arith.constant 75136 : i32
        %dma_start3A_312 = tpu.memref_slice %arg2[%add3A_298, %add3A, %dma_start3A_311] : memref<26x32x100000xf32, #tpu.memory_space<hbm>> -> memref<1x1x24832xf32, #tpu.memory_space<hbm>>
        %dma_start3A_313 = tpu.memref_squeeze %dma_start3A_312 : memref<1x1x24832xf32, #tpu.memory_space<hbm>> -> memref<24832xf32, #tpu.memory_space<hbm>>
        %dma_start3A_314 = arith.constant 24960 : i32
        %dma_start3A_315 = tpu.memref_slice %arg8[%dma_start3A_314] : memref<49920xf32, #tpu.memory_space<vmem>> -> memref<24832xf32, #tpu.memory_space<vmem>>
        %dma_start3A_316 = arith.constant 75136 : i32
        %dma_start3A_317 = tpu.memref_slice %arg2[%add3A_298, %add3A, %dma_start3A_316] : memref<26x32x100000xf32, #tpu.memory_space<hbm>> -> memref<1x1x24832xf32, #tpu.memory_space<hbm>>
        %dma_start3A_318 = tpu.memref_squeeze %dma_start3A_317 : memref<1x1x24832xf32, #tpu.memory_space<hbm>> -> memref<24832xf32, #tpu.memory_space<hbm>>
        tpu.enqueue_dma source(%dma_start3A_318 : memref<24832xf32, #tpu.memory_space<hbm>>) target(%dma_start3A_315 : memref<24832xf32, #tpu.memory_space<vmem>>) target_semaphore(%arg12 : memref<!tpu.dma_semaphore, #tpu.memory_space<semaphore_mem>>)
        %dma_start3A_319 = arith.constant 49792 : i32
        %dma_start3A_320 = tpu.memref_slice %arg8[%dma_start3A_319] : memref<49920xf32, #tpu.memory_space<vmem>> -> memref<128xf32, #tpu.memory_space<vmem>>
        %dma_start3A_321 = arith.constant 0 : i32
        %dma_start3A_322 = tpu.memref_slice %arg3[%add3A_298, %add3A, %dma_start3A_321] : memref<26x32x128xf32, #tpu.memory_space<hbm>> -> memref<1x1x128xf32, #tpu.memory_space<hbm>>
        %dma_start3A_323 = tpu.memref_squeeze %dma_start3A_322 : memref<1x1x128xf32, #tpu.memory_space<hbm>> -> memref<128xf32, #tpu.memory_space<hbm>>
        %dma_start3A_324 = arith.constant 49792 : i32
        %dma_start3A_325 = tpu.memref_slice %arg8[%dma_start3A_324] : memref<49920xf32, #tpu.memory_space<vmem>> -> memref<128xf32, #tpu.memory_space<vmem>>
        %dma_start3A_326 = arith.constant 0 : i32
        %dma_start3A_327 = tpu.memref_slice %arg3[%add3A_298, %add3A, %dma_start3A_326] : memref<26x32x128xf32, #tpu.memory_space<hbm>> -> memref<1x1x128xf32, #tpu.memory_space<hbm>>
        %dma_start3A_328 = tpu.memref_squeeze %dma_start3A_327 : memref<1x1x128xf32, #tpu.memory_space<hbm>> -> memref<128xf32, #tpu.memory_space<hbm>>
        tpu.enqueue_dma source(%dma_start3A_328 : memref<128xf32, #tpu.memory_space<hbm>>) target(%dma_start3A_325 : memref<128xf32, #tpu.memory_space<vmem>>) target_semaphore(%arg12 : memref<!tpu.dma_semaphore, #tpu.memory_space<semaphore_mem>>)
      } else {
      }
    }
    %scan3A_118 = arith.constant 26 : i32
    %parallel_loop3A_119 = arith.constant 0 : i32
    %parallel_loop3A_120 = arith.constant 512 : i32
    %parallel_loop3A_121 = arith.constant 1 : i32
    scf.for %parallel_loop3A_122 = %parallel_loop3A_119 to %parallel_loop3A_120 step %parallel_loop3A_121  : i32 {
      %parallel_loop3A_123 = arith.constant 16 : i32
      %parallel_loop3A_124 = arith.muli %parallel_loop3A_122, %parallel_loop3A_123 : i32
      %parallel_loop3A_125 = arith.index_cast %parallel_loop3A_124 : i32 to index
      %parallel_loop3A_126 = tpu.vector_load %arg9[%parallel_loop3A_125] {strides = array<i32>} : memref<8192xi32, #tpu.memory_space<vmem>>, vector<16xi32>,
      %parallel_loop3A_127 = vector.bitcast %parallel_loop3A_126 : vector<16xi32> to vector<32xbf16>
      %parallel_loop3A_128 = tpu.unpack_subelements %parallel_loop3A_127, 0 {pack_format = #tpu.pack_format<interleaved>} : vector<32xbf16> -> vector<16xf32>
      %parallel_loop3A_129 = tpu.unpack_subelements %parallel_loop3A_127, 1 {pack_format = #tpu.pack_format<interleaved>} : vector<32xbf16> -> vector<16xf32>
      %parallel_loop3A_130 = vector.broadcast %squeeze3A : f32 to vector<16xf32>
      %parallel_loop3A_131 = arith.mulf %parallel_loop3A_128, %parallel_loop3A_130 : vector<16xf32>
      %parallel_loop3A_132 = arith.constant 32 : i32
      %parallel_loop3A_133 = arith.muli %parallel_loop3A_122, %parallel_loop3A_132 : i32
      %parallel_loop3A_134 = arith.index_cast %parallel_loop3A_133 : i32 to index
      %parallel_loop3A_135 = tpu.vector_load %arg7[%parallel_loop3A_134] {strides = array<i32>} : memref<50176xf32, #tpu.memory_space<vmem>>, vector<16xf32>,
      tpu.vector_store %arg7[%parallel_loop3A_134], %parallel_loop3A_131 {strides = array<i32>} : memref<50176xf32, #tpu.memory_space<vmem>>, vector<16xf32>,
      %parallel_loop3A_136 = vector.broadcast %squeeze3A : f32 to vector<16xf32>
      %parallel_loop3A_137 = arith.mulf %parallel_loop3A_129, %parallel_loop3A_136 : vector<16xf32>
      %parallel_loop3A_138 = arith.constant 32 : i32
      %parallel_loop3A_139 = arith.muli %parallel_loop3A_122, %parallel_loop3A_138 : i32
      %parallel_loop3A_140 = arith.constant 16 : i32
      %parallel_loop3A_141 = arith.addi %parallel_loop3A_139, %parallel_loop3A_140 : i32
      %parallel_loop3A_142 = arith.index_cast %parallel_loop3A_141 : i32 to index
      %parallel_loop3A_143 = tpu.vector_load %arg7[%parallel_loop3A_142] {strides = array<i32>} : memref<50176xf32, #tpu.memory_space<vmem>>, vector<16xf32>,
      tpu.vector_store %arg7[%parallel_loop3A_142], %parallel_loop3A_137 {strides = array<i32>} : memref<50176xf32, #tpu.memory_space<vmem>>, vector<16xf32>,
    } {sc.loop_unroll_factor = 4 : i64, sc.parallel_access}
    "tpu.region"() ({
      %run_scoped3A = tpu.sem_alloc : memref<!tpu.dma_semaphore, #tpu.memory_space<semaphore_mem>>
      %dma_start3A_122 = arith.constant 0 : i32
      %dma_start3A_123 = tpu.memref_slice %arg7[%dma_start3A_122] : memref<50176xf32, #tpu.memory_space<vmem>> -> memref<16384xf32, #tpu.memory_space<vmem>>
      %dma_start3A_124 = arith.constant 0 : i32
      %dma_start3A_125 = tpu.memref_slice %arg6[%add3A, %dma_start3A_124] : memref<32x16384xf32, #tpu.memory_space<hbm>> -> memref<1x16384xf32, #tpu.memory_space<hbm>>
      %dma_start3A_126 = tpu.memref_squeeze %dma_start3A_125 : memref<1x16384xf32, #tpu.memory_space<hbm>> -> memref<16384xf32, #tpu.memory_space<hbm>>
      %dma_start3A_127 = arith.constant 0 : i32
      %dma_start3A_128 = tpu.memref_slice %arg6[%add3A, %dma_start3A_127] : memref<32x16384xf32, #tpu.memory_space<hbm>> -> memref<1x16384xf32, #tpu.memory_space<hbm>>
      %dma_start3A_129 = tpu.memref_squeeze %dma_start3A_128 : memref<1x16384xf32, #tpu.memory_space<hbm>> -> memref<16384xf32, #tpu.memory_space<hbm>>
      %dma_start3A_130 = arith.constant 0 : i32
      %dma_start3A_131 = tpu.memref_slice %arg7[%dma_start3A_130] : memref<50176xf32, #tpu.memory_space<vmem>> -> memref<16384xf32, #tpu.memory_space<vmem>>
      tpu.enqueue_dma source(%dma_start3A_131 : memref<16384xf32, #tpu.memory_space<vmem>>) target(%dma_start3A_129 : memref<16384xf32, #tpu.memory_space<hbm>>) target_semaphore(%run_scoped3A : memref<!tpu.dma_semaphore, #tpu.memory_space<semaphore_mem>>)
      %dma_wait3A = arith.constant 0 : i32
      %dma_wait3A_132 = tpu.memref_slice %arg7[%dma_wait3A] : memref<50176xf32, #tpu.memory_space<vmem>> -> memref<16384xf32, #tpu.memory_space<vmem>>
      %dma_wait3A_133 = arith.constant 0 : i32
      %dma_wait3A_134 = tpu.memref_slice %arg6[%add3A, %dma_wait3A_133] : memref<32x16384xf32, #tpu.memory_space<hbm>> -> memref<1x16384xf32, #tpu.memory_space<hbm>>
      %dma_wait3A_135 = tpu.memref_squeeze %dma_wait3A_134 : memref<1x16384xf32, #tpu.memory_space<hbm>> -> memref<16384xf32, #tpu.memory_space<hbm>>
      %dma_wait3A_136 = arith.constant 0 : i32
      %dma_wait3A_137 = tpu.memref_slice %arg6[%add3A, %dma_wait3A_136] : memref<32x16384xf32, #tpu.memory_space<hbm>> -> memref<1x16384xf32, #tpu.memory_space<hbm>>
      %dma_wait3A_138 = tpu.memref_squeeze %dma_wait3A_137 : memref<1x16384xf32, #tpu.memory_space<hbm>> -> memref<16384xf32, #tpu.memory_space<hbm>>
      %dma_wait3A_139 = arith.constant 0 : i32
      %dma_wait3A_140 = tpu.memref_slice %arg7[%dma_wait3A_139] : memref<50176xf32, #tpu.memory_space<vmem>> -> memref<16384xf32, #tpu.memory_space<vmem>>
      tpu.wait_dma2 semaphore(%run_scoped3A : memref<!tpu.dma_semaphore, #tpu.memory_space<semaphore_mem>>) src(%dma_wait3A_140 : memref<16384xf32, #tpu.memory_space<vmem>>) dst(%dma_wait3A_138 : memref<16384xf32, #tpu.memory_space<hbm>>)
      tpu.yield
    }) : () -> ()
    return
  }
}

</mosaic_0001>

<sc_bundles>
// kernel: _lookup_mean.3.cloned.1.call-start
scs
__scs_entry_jumppad:
0x0: {  	(pc) =	sbr.rel $0x88, $3  }
0x1: {  	(tag) =	ssettag $0x0;
	lr =	simm.s32 $0x1  }
0x2: {  	[smem:$0x3F9E] =	sst lr;
	_ =	strace $0xD0000000  }
0x3: {  	_ = 	snop  }
0x4: {  	_ = 	snop  }
0x5: {  	_ = 	snop  }
0x6: {  	_ = 	snop  }
0x7: {  	_ = 	snop  }
__scs_overlays_trampoline_lowered:
0x8: {  	[smem:$0x3FAD] =	sst s0  }
0x9: {  	[smem:$0x3FAE] =	sst s1  }
0xa: {  	[smem:$0x3FAF] =	sst s2  }
0xb: {  	[smem:$0x3FB0] =	sst s3  }
0xc: {  	[smem:$0x3FB1] =	sst s4  }
0xd: {  	[smem:$0x3FB2] =	sst s5  }
0xe: {  	[smem:$0x3FB3] =	sst s6  }
0xf: {  	[smem:$0x3FB4] =	sst s7  }
0x10: {  	[smem:$0x3FB5] =	sst s8  }
0x11: {  	[smem:$0x3FB6] =	sst s9;
	s0 =	simm.s32 @!p0 $0x0  }
0x12: {  	s1 =	sld [smem:$0x3F9C];
	s0 =	simm.s32 @p0 $0x1  }
0x13: {  	[smem:$0x3FB7] =	sst s0;
	s0 =	simm.s32 @!p1 $0x0  }
0x14: {  	s2 =	sld [smem:$0x3F9B];
	s0 =	simm.s32 @p1 $0x1  }
0x15: {  	[smem:$0x3FB8] =	sst s0;
	s0 =	simm.s32 @!p2 $0x0  }
0x16: {  	s3 =	sld [smem:$0x3FDB];
	s0 =	simm.s32 @p2 $0x1  }
0x17: {  	s4 =	simm.s32 $0x1BF5;
	[smem:$0x3FBA] =	sst s0  }
0x18: {  	s0 =	sld [smem:$0x3F9D];
	_ =	swait.ge [sflag:s4], $0x0  }
0x19: {  	s7 =	sld [smem:$0x3F9E]  }
0x1a: {  	s8 =	sadd.s32 $0xFFFFE003, lr  }
0x1b: {  	s9 =	sadd.s32 $0xFFFFFEF7, lr;
	s5 =	simm.s32 $0xFFFFFFFF;
	p2 =	slt.u32 s8, $0xFFFFF086  }
0x1c: {  	p1 =	slt.u32 s9, $0xF7A;
	s5 =	simm.s32 @!p2 $0x0  }
0x1d: {  	s5 =	simm.s32 @p1 $0x1;
	p0 =	seq.s32 s7, s2  }
0x1e: {  	s7 =	smul.u32 @!p0 $0xF7A, s2;
	p2 =	seq.s32 @!p0 s5, $0x0  }
0x1f: {  	s9 =	smul.u32 $0xF7A, s1;
	s8 =	simm.s32 @!p0 $0x1BF5;
	p2 =	por !p2, p0  }
0x20: {  	[sflag:s8] =	ssyncset.s32 @!p0 $0xFFFFF086;
	s6 =	sadd.s32 @!p0 s3, s7;
	s7 =	simm.s32 @!p0 $0x108  }
0x21: {  	s3 =	sadd.s32 s3, s9;
	s6 =	sadd.s32 @!p0 $0x88, s6;
	s7 =	simm.s32 @p2 $0x1082  }
0x22: {  	[simem:s7], [sflag:s8] =	dma.local @!p0 [hbm:s6], $0xF7A  }
0x23: {  	s9 =	sor.u32 $0xD0000000, s2;
	s6 =	simm.s32 $0x108;
	_ =	swait.ge @!p0 [sflag:s8], $0x0  }
0x24: {  	s3 =	sadd.s32 $0x88, s3;
	s6 =	simm.s32 @!p1 $0x1082;
	[sflag:s4] =	ssyncset.s32 $0xFFFFF086  }
0x25: {  	[simem:s6], [sflag:s4] =	dma.local [hbm:s3], $0xF7A  }
0x26: {  	[smem:$0x3F9E] =	sst s1;
	(tag) =	ssettag s2;
	_ =	strace s9  }
0x27: {  	s1 =	sld [smem:$0x3FAE]  }
0x28: {  	s2 =	sld [smem:$0x3FAF]  }
0x29: {  	s4 =	sld [smem:$0x3FB1]  }
0x2a: {  	p0 =	seq.s32 s5, $0x0;
	s5 =	sld [smem:$0x3FB2]  }
0x2b: {  	s6 =	sld [smem:$0x3FB3]  }
0x2c: {  	s7 =	sld [smem:$0x3FB4]  }
0x2d: {  	s3 =	simm.s32 $0x108;
	s8 =	sld [smem:$0x3FB5]  }
0x2e: {  	s3 =	simm.s32 @!p0 $0x1082;
	s9 =	sld [smem:$0x3FB6]  }
0x2f: {  	lr =	sadd.s32 s0, s3;
	s0 =	sld [smem:$0x3FAD]  }
0x30: {  	s3 =	sld [smem:$0x3FB0]  }
0x31: {  	[smem:$0x3FB9] =	sst s10  }
0x32: {  	s10 =	sld [smem:$0x3FB7];
	_ =	sdelay $0x3  }
0x33: {  	p0 =	seq.s32 s10, $0x1;
	s10 =	sld [smem:$0x3FB9];
	_ =	sdelay $0x3  }
0x34: {  	[smem:$0x3FB9] =	sst s10  }
0x35: {  	s10 =	sld [smem:$0x3FB8];
	_ =	sdelay $0x3  }
0x36: {  	p1 =	seq.s32 s10, $0x1;
	s10 =	sld [smem:$0x3FB9];
	_ =	sdelay $0x3  }
0x37: {  	[smem:$0x3FB9] =	sst s10  }
0x38: {  	s10 =	sld [smem:$0x3FBA]  }
0x39: {  	_ = 	snop;
	(pc) =	sbr.ind lr, $3  }
0x3a: {  	_ = 	snop  }
0x3b: {  	_ = 	snop  }
0x3c: {  	p2 =	seq.s32 s10, $0x1;
	s10 =	sld [smem:$0x3FB9]  }
0x3d: {  	_ =	shalt  }
0x3e: {  	_ =	shalt  }
0x3f: {  	_ =	shalt  }
0x40: {  	_ =	shalt  }
0x41: {  	_ =	shalt  }
0x42: {  	_ =	shalt  }
0x43: {  	_ =	shalt  }
0x44: {  	_ =	shalt  }
0x45: {  	_ =	shalt  }
0x46: {  	_ =	shalt  }
0x47: {  	_ =	shalt  }
0x48: {  	_ =	shalt  }
0x49: {  	_ =	shalt  }
0x4a: {  	_ =	shalt  }
0x4b: {  	_ =	shalt  }
0x4c: {  	_ =	shalt  }
0x4d: {  	_ =	shalt  }
0x4e: {  	_ =	shalt  }
0x4f: {  	_ =	shalt  }
0x50: {  	_ =	shalt  }
0x51: {  	_ =	shalt  }
0x52: {  	_ =	shalt  }
0x53: {  	_ =	shalt  }
0x54: {  	_ =	shalt  }
0x55: {  	_ =	shalt  }
0x56: {  	_ =	shalt  }
0x57: {  	_ =	shalt  }
0x58: {  	_ =	shalt  }
0x59: {  	_ =	shalt  }
0x5a: {  	_ =	shalt  }
0x5b: {  	_ =	shalt  }
0x5c: {  	_ =	shalt  }
0x5d: {  	_ =	shalt  }
0x5e: {  	_ =	shalt  }
0x5f: {  	_ =	shalt  }
0x60: {  	_ =	shalt  }
0x61: {  	_ =	shalt  }
0x62: {  	_ =	shalt  }
0x63: {  	_ =	shalt  }
0x64: {  	_ =	shalt  }
0x65: {  	_ =	shalt  }
0x66: {  	_ =	shalt  }
0x67: {  	_ =	shalt  }
0x68: {  	_ =	shalt  }
0x69: {  	_ =	shalt  }
0x6a: {  	_ =	shalt  }
0x6b: {  	_ =	shalt  }
0x6c: {  	_ =	shalt  }
0x6d: {  	_ =	shalt  }
0x6e: {  	_ =	shalt  }
0x6f: {  	_ =	shalt  }
0x70: {  	_ =	shalt  }
0x71: {  	_ =	shalt  }
0x72: {  	_ =	shalt  }
0x73: {  	_ =	shalt  }
0x74: {  	_ =	shalt  }
0x75: {  	_ =	shalt  }
0x76: {  	_ =	shalt  }
0x77: {  	_ =	shalt  }
0x78: {  	_ =	shalt  }
0x79: {  	_ =	shalt  }
0x7a: {  	_ =	shalt  }
0x7b: {  	_ =	shalt  }
0x7c: {  	_ =	shalt  }
0x7d: {  	_ =	shalt  }
0x7e: {  	_ =	shalt  }
0x7f: {  	_ =	shalt  }
0x80: {  	_ =	shalt  }
0x81: {  	_ =	shalt  }
0x82: {  	_ =	shalt  }
0x83: {  	_ =	shalt  }
0x84: {  	_ =	shalt  }
0x85: {  	_ =	shalt  }
0x86: {  	_ =	shalt  }
0x87: {  	_ =	shalt  }
.Lfunc_end0:
.L_simem_size_0:
called_computation_lowered:
.L_overlay_start_0:
0x88: {  	s2 =	sld [smem:$0x3FD9]  }
0x89: {  	s3 =	sld [smem:$0x3FFE];
	_ =	sdelay $0x1  }
0x8a: {  	s1 =	srdreg.scid  }
0x8b: {  	s0 =	sand.u32 $0x1, s1  }
0x8c: {  	s17 =	sshll.u32 s0, $0xA;
	s2 =	sadd.s32 s3, s2  }
0x8d: {  	s2 =	sadd.s32 s2, s17  }
0x8e: {  	[smem:$0x3FC5] =	sst s2  }
0x8f: {  	_ = 	snop  }
0x90: {  	s2 =	sld [smem:$0x3FC9]  }
0x91: {  	s18 =	sld [smem:$0x3FC8]  }
0x92: {  	s4 =	sld [smem:$0x3FC7]  }
0x93: {  	s5 =	sld [smem:$0x3FD0];
	(tm) =	ssettm $0x1  }
0x94: {  	s6 =	sld [smem:$0x3FFB];
	_ =	sdelay $0x3  }
0x95: {  	_ =	strace s6  }
0x96: {  	s6 =	sld [smem:$0x3FFC];
	_ =	sdelay $0x3  }
0x97: {  	_ =	strace s6  }
0x98: {  	s6 =	sld [smem:$0x3FFD];
	_ =	sdelay $0x3  }
0x99: {  	_ =	strace s6  }
0x9a: {  	_ =	strace $0x8FFFFFFF  }
0x9b: {  	s19 =	sld [smem:$0x3FDB];
	_ =	sdelay $0x1  }
0x9c: {  	s7 =	simm.s32 $_scs_section_size  }
0x9d: {  	s8 =	simm.s32 $_size__tile_overlayer_lowered;
	s9 =	simm.s32 $_tile_overlayer_lowered  }
0x9e: {  	s22 =	simm.s32 $0x1BFF;
	s21 =	sshll.u32 s9, $0x1;
	s6 =	sadd.s32 s7, s19  }
0x9f: {  	s10 =	simm.s32 $0x0;
	s20 =	sshll.u32 s8, $0x1;
	s8 =	sadd.s32 s21, s6  }
0xa0: {  	[timem:s10], [sflag:s22] =	dma.local [hbm:s8], s20  }
0xa1: {  	_ =	swait.ge [sflag:s22], s20  }
0xa2: {  	s7 =	ssub.s32 $0x0, s20;
	[sflag:s22] =	ssyncset.done $0x0  }
0xa3: {  	[sflag:s22] =	ssyncadd.s32 s7;
	_ =	sdelay $0x1  }
0xa4: {  	s23 =	simm.s32 $0x1B8B  }
0xa5: {  	_ =	swait.ge [sflag:s23], $0x1  }
0xa6: {  	[sflag:s23] =	ssyncset.done $0x0  }
0xa7: {  	s25 =	simm.s32 $0x1B8E;
	s24 =	sld [smem:$0x3FFE];
	[sflag:s23] =	ssyncadd.s32 $0xFFFFFFFF  }
0xa8: {  	s26 =	simm.s32 $execute0_lowered;
	[smem:$0x3FD2] =	sst s25  }
0xa9: {  	s8 =	sshll.u32 s26, $0x1;
	_ =	strace $0x80000046;
	[dreg:$0x1] =	wrdreg $0xFFFFFFFF  }
0xaa: {  	s28 =	simm.s32 $_size_execute0_lowered;
	s6 =	sadd.s32 s6, s8;
	[dreg:$0x0] =	wrdreg $0x0  }
0xab: {  	s8 =	sshll.u32 s28, $0x1;
	[dreg:$0x2] =	wrdreg s6  }
0xac: {  	[dreg:$0x3] =	wrdreg s8  }
0xad: {  	[dreg:$0x4] =	wrdreg $0xC0  }
0xae: {  	_ =	task [dreg:s10], $0x5FFFF  }
0xaf: {  	[dreg:$0x1] =	wrdreg $0xFFFFFFFF  }
0xb0: {  	[dreg:$0x0] =	wrdreg $0x60  }
0xb1: {  	[dreg:$0x2] =	wrdreg s2  }
0xb2: {  	[dreg:$0x3] =	wrdreg s18  }
0xb3: {  	[dreg:$0x4] =	wrdreg s4  }
0xb4: {  	[dreg:$0x5] =	wrdreg s24  }
0xb5: {  	[dreg:$0x6] =	wrdreg s5  }
0xb6: {  	[dreg:$0x7] =	wrdreg $0x9  }
0xb7: {  	_ =	task.clear_ibuf [dreg:s10], $0x8FFFF;
	_ =	strace $0x90000046  }
0xb8: {  	s29 =	simm.s32 $0x9;
	_ =	strace $0x80000048  }
0xb9: {  	_ =	swait.ge [sflag:s29], $0x1  }
0xba: {  	[sflag:s29] =	ssyncadd.s32 $0xFFFFFFFF  }
0xbb: {  	_ =	strace $0x90000048  }
0xbc: {  	_ =	sfence  }
0xbd: {  	s30 =	sld [smem:$0x0];
	_ =	sdelay $0x2  }
0xbe: {  	s31 =	sshll.u32 s1, $0xD;
	s1 =	sshrl.u32 s1, $0x2  }
0xbf: {  	s3 =	sand.u32 $0x4000, s31;
	s1 =	sadd.s32 s1, s30  }
0xc0: {  	s0 =	sor.u32 s3, s0;
	s1 =	sshll.u32 s1, $0x11  }
0xc1: {  	s0 =	sor.u32 s1, s0  }
0xc2: {  	s0 =	sadd.s32 $0x8F2B, s0  }
0xc3: {  	[sflag:s0] =	ssyncadd.remote.s32 $0x1  }
0xc4: {  	_ =	sfence.sel $0xFFFF  }
0xc5: {  	[dreg:$0x0] =	wrdreg $0xFFFFFFFF;
	(pc) =	sbr.abs _section_cstart, $3  }
0xc6: {  	[dreg:$0x1] =	wrdreg $0xFFFFFFFF  }
0xc7: {  	_ =	task.clear_ibuf [dreg:s10], $0x2FFFF;
	_ =	strace $0x9FFFFFFF  }
0xc8: {  	(tm) =	ssettm $0x7FFFFFFF  }
0xc9: {  	_ =	shalt  }
tec
execute0_lowered:
.L_overlay_start_1:
0x0: {  	(tag) =	ssettag $0x1  }
0x1: {  	s1 =	rddreg [dreg:$0x0]  }
0x2: {  	s2 =	rddreg [dreg:$0x1]  }
0x3: {  	s3 =	rddreg [dreg:$0x2]  }
0x4: {  	s0 =	rddreg [dreg:$0x3]  }
0x5: {  	s4 =	rddreg [dreg:$0x4];
	s5 =	simm.s32 $0x0;
	s6 =	srdreg.scid  }
0x6: {  	s9 =	stileid.u32;
	s28 =	simm.s32 $0x400;
	s30 =	simm.s32 $0xC400  }
0x7: {  	s31 =	simm.s32 $0x12580;
	s29 =	simm.s32 $0x2;
	[smem:$0x7FF] =	sst s5  }
0x8: {  	s7 =	sand.u32 $0x1, s6;
	s12 =	sshrl.u32 s9, $0x2;
	s9 =	sshll.u32 s9, $0x8  }
0x9: {  	s0 =	sadd.s32 $0x400, s0;
	s11 =	sadd.s32 $0x3000, s3;
	s8 =	ssub.s32 $0x2, s7  }
0xa: {  	s6 =	smul.u32 $0xC3800, s12;
	s7 =	sshll.u32 s7, $0x7;
	s9 =	sand.u32 $0x300, s9  }
0xb: {  	_ =	strace $0x80000047;
	[dreg:$0x6] =	wrdreg s0;
	s24 =	sshll.u32 s12, $0xA  }
0xc: {  	s12 =	sshll.u32 s12, $0x11;
	s10 =	sshrl.u32 s8, $0x1;
	s7 =	sor.u32 s7, s9  }
0xd: {  	s9 =	sadd.s32 $0x1000, s3;
	s17 =	ssub.s32 s8, s10;
	s22 =	sor.u32 s6, s7  }
0xe: {  	s10 =	sadd.s32 $0x2000, s3;
	s15 =	sor.u32 s24, s7;
	s18 =	sor.u32 $0x31000, s7  }
0xf: {  	s26 =	sor.u32 s12, s7;
	s19 =	sor.u32 $0x62000, s7;
	s20 =	sor.u32 $0x92C00, s7  }
0x10: {  	s21 =	sadd.s32 $0x30E000, s6;
	s24 =	simm.s32 $0x3;
	s13 =	sadd.s32 $0x31000, s22  }
0x11: {  	s14 =	sshrl.u32 s22, $0x3;
	s23 =	sadd.s32 $0x62000, s22;
	s8 =	sadd.s32 $0x92C00, s22  }
0x12: {  	s25 =	sshrl.u32 s15, $0x3;
	s0 =	smax.u32 s17, $0x1;
	s13 =	sshrl.u32 s13, $0x3  }
0x13: {  	s14 =	sadd.s32 s1, s14;
	s8 =	sshrl.u32 s8, $0x3;
	[dreg:$0xd] =	wrdreg s0  }
0x14: {  	s0 =	simm.s32 $0x18680;
	[dreg:$0x7] =	wrdreg s14;
	s13 =	sadd.s32 s1, s13  }
0x15: {  	s8 =	sadd.s32 s1, s8;
	s14 =	simm.s32 $0x4;
	[dreg:$0x8] =	wrdreg s13  }
0x16: {  	s13 =	sshrl.u32 s23, $0x3;
	[dreg:$0xa] =	wrdreg s8;
	s8 =	sadd.s32 s2, s25  }
0x17: {  	s13 =	sadd.s32 s1, s13;
	[dreg:$0xb] =	wrdreg s8;
	s8 =	sshrl.u32 s26, $0x3  }
0x18: {  	s26 =	simm.s32 $0x80;
	[dreg:$0x9] =	wrdreg s13;
	s4 =	sadd.s32 s4, s8  }
0x19: {  	v0 =	vimm.s32 $0x0;
	s8 =	simm.s32 $0x0;
	[dreg:$0xc] =	wrdreg s4;
	s4 =	simm.s32 $0x1  }
.LBB2_1:
0x1a: {  	s12 =	rddreg [dreg:$0x6];
	s13 =	simm.s32 $0x1E700  }
0x1b: {  	[tilespmem:s13], [sflag:$0x4] =	stream.linear.gather [hbm4b:s12+s5], $0x1, $0x38;
	[tilespmem:$0x1E780] =	vst v63  }
0x1c: {  	_ =	swait.ge [sflag:s14], $0x1  }
0x1d: {  	[sflag:s14] =	ssyncset.done $0x0  }
0x1e: {  	s13 =	simm.s32 $0x18740;
	[sflag:s14] =	ssyncadd.s32 $0xFFFFFFFF  }
0x1f: {  	v1 =	vld [tilespmem:$0x1E700];
	[tilespmem:s13+$0xFFFFFFC0] =	vst v0  }
0x20: {  	[tilespmem:s13+$0x30] =	vst v0  }
0x21: {  	[tilespmem:s13+$0x20] =	vst v0  }
0x22: {  	[tilespmem:s13+$0x10] =	vst v0  }
0x23: {  	[tilespmem:s13+$0x0] =	vst v0  }
0x24: {  	[tilespmem:s13+$0xFFFFFFF0] =	vst v0  }
0x25: {  	s12 =	simm.s32 $0x1A700;
	s14 =	simm.s32 $0x0;
	[tilespmem:s13+$0xFFFFFFE0] =	vst v0  }
.LBB2_2:
0x26: {  	s14 =	sadd.s32 $0x8, s14;
	[tilespmem:s13+$0xFFFFFFD0] =	vst v0;
	s13 =	sadd.s32 $0x80, s13  }
0x27: {  	[tilespmem:s13+$0xFFFFFFC0] =	vst v0;
	p0 =	slt.u32 s14, $0x1F8  }
0x28: {  	[tilespmem:s13+$0x30] =	vst v0  }
.Ltmp0:
0x29: {  	[tilespmem:s13+$0x20] =	vst v0;
	(pc) =	sbr.rel @p0 .LBB2_2-.Ltmp0, $4  }
0x2a: {  	[tilespmem:s13+$0x10] =	vst v0  }
0x2b: {  	[tilespmem:s13+$0x0] =	vst v0  }
0x2c: {  	[tilespmem:s13+$0xFFFFFFF0] =	vst v0  }
0x2d: {  	[tilespmem:s13+$0xFFFFFFE0] =	vst v0  }
0x2e: {  	[tilespmem:s13+$0xFFFFFFD0] =	vst v0;
	s13 =	simm.s32 $0x80;
	s16 =	sadd.s32 $0x0, s3;
	s14 =	simm.s32 $0x1A900  }
.LBB2_4:
0x2f: {  	[tilespmem:s12], [sflag:$0x3] =	stream.linear.gather [hbm4b:s16+s5], $0x80, $0x38;
	[tilespmem:$0x1E780] =	vst v63  }
0x30: {  	s16 =	smov.u32 s13;
	s12 =	smov.u32 s14;
	p0 =	sne.s32 s13, $0xF80  }
.Ltmp1:
0x31: {  	s13 =	sadd.s32 $0x80, s13;
	(pc) =	sbr.rel @p0 .LBB2_4-.Ltmp1, $2  }
0x32: {  	_ =	sdelay $0x2  }
0x33: {  	s14 =	sadd.s32 $0x200, s14;
	s16 =	sadd.s32 s16, s3  }
0x34: {  	[tilespmem:s12], [sflag:$0x3] =	stream.linear.gather [hbm4b:s16+s5], $0x80, $0x38;
	[tilespmem:$0x1E780] =	vst v63  }
0x35: {  	s12 =	simm.s32 $0x1A780  }
0x36: {  	s13 =	simm.s32 $0x80;
	s16 =	sadd.s32 $0x0, s9;
	s14 =	simm.s32 $0x1A980  }
.LBB2_6:
0x37: {  	[tilespmem:s12], [sflag:$0x3] =	stream.linear.gather [hbm4b:s16+s5], $0x80, $0x38;
	[tilespmem:$0x1E780] =	vst v63  }
0x38: {  	s16 =	smov.u32 s13;
	s12 =	smov.u32 s14;
	p0 =	sne.s32 s13, $0xF80  }
.Ltmp2:
0x39: {  	s13 =	sadd.s32 $0x80, s13;
	(pc) =	sbr.rel @p0 .LBB2_6-.Ltmp2, $2  }
0x3a: {  	_ =	sdelay $0x2  }
0x3b: {  	s14 =	sadd.s32 $0x200, s14;
	s16 =	sadd.s32 s16, s9  }
0x3c: {  	[tilespmem:s12], [sflag:$0x3] =	stream.linear.gather [hbm4b:s16+s5], $0x80, $0x38;
	[tilespmem:$0x1E780] =	vst v63  }
0x3d: {  	s12 =	simm.s32 $0x1A800  }
0x3e: {  	s13 =	simm.s32 $0x80;
	s16 =	sadd.s32 $0x0, s10;
	s14 =	simm.s32 $0x1AA00  }
.LBB2_8:
0x3f: {  	[tilespmem:s12], [sflag:$0x3] =	stream.linear.gather [hbm4b:s16+s5], $0x80, $0x38;
	[tilespmem:$0x1E780] =	vst v63  }
0x40: {  	s16 =	smov.u32 s13;
	s12 =	smov.u32 s14;
	p0 =	sne.s32 s13, $0xF80  }
.Ltmp3:
0x41: {  	s13 =	sadd.s32 $0x80, s13;
	(pc) =	sbr.rel @p0 .LBB2_8-.Ltmp3, $2  }
0x42: {  	_ =	sdelay $0x2  }
0x43: {  	s14 =	sadd.s32 $0x200, s14;
	s16 =	sadd.s32 s16, s10  }
0x44: {  	[tilespmem:s12], [sflag:$0x3] =	stream.linear.gather [hbm4b:s16+s5], $0x80, $0x38;
	[tilespmem:$0x1E780] =	vst v63  }
0x45: {  	s12 =	simm.s32 $0x1A880  }
0x46: {  	s13 =	simm.s32 $0x80;
	s16 =	sadd.s32 $0x0, s11;
	s14 =	simm.s32 $0x1AA80  }
.LBB2_10:
0x47: {  	[tilespmem:s12], [sflag:$0x3] =	stream.linear.gather [hbm4b:s16+s5], $0x80, $0x38;
	[tilespmem:$0x1E780] =	vst v63  }
0x48: {  	s16 =	smov.u32 s13;
	s12 =	smov.u32 s14;
	p0 =	sne.s32 s13, $0xF80  }
.Ltmp4:
0x49: {  	s13 =	sadd.s32 $0x80, s13;
	(pc) =	sbr.rel @p0 .LBB2_10-.Ltmp4, $2  }
0x4a: {  	_ =	sdelay $0x2  }
0x4b: {  	s14 =	sadd.s32 $0x200, s14;
	s16 =	sadd.s32 s16, s11  }
0x4c: {  	[tilespmem:s12], [sflag:$0x3] =	stream.linear.gather [hbm4b:s16+s5], $0x80, $0x38;
	[tilespmem:$0x1E780] =	vst v63  }
0x4d: {  	s12 =	simm.s32 $0x0;
	s13 =	rddreg [dreg:$0x7]  }
0x4e: {  	[tilespmem:s12], [sflag:$0x1] =	stream.strided.gather [hbm4b:s13+s26], $0x6200, s28, s26, $0x38;
	[tilespmem:$0x1E780] =	vst v63  }
0x4f: {  	s17 =	rddreg [dreg:$0x8];
	s14 =	simm.s32 $0x6200  }
0x50: {  	[tilespmem:s14], [sflag:$0x1] =	stream.strided.gather [hbm4b:s17+s26], $0x6200, s28, s26, $0x38;
	[tilespmem:$0x1E780] =	vst v63  }
0x51: {  	s22 =	rddreg [dreg:$0x9]  }
0x52: {  	[tilespmem:s30], [sflag:$0x2] =	stream.strided.gather [hbm4b:s22+s26], $0x6180, s28, s26, $0x38;
	[tilespmem:$0x1E780] =	vst v63  }
0x53: {  	s23 =	rddreg [dreg:$0xa]  }
0x54: {  	[tilespmem:s31], [sflag:$0x2] =	stream.strided.gather [hbm4b:s23+s26], $0x6100, s28, s26, $0x38;
	[tilespmem:$0x1E780] =	vst v63  }
0x55: {  	s25 =	rddreg [dreg:$0xb]  }
0x56: {  	[tilespmem:s0], [sflag:$0x2] =	stream.linear.gather [hbm4b:s25+s12], $0x80, $0x38;
	[tilespmem:$0x1E780] =	vst v63  }
.LBB2_12:
0x57: {  	_ =	swait.ge [sflag:s4], $0x6200  }
0x58: {  	[sflag:s4] =	ssyncset.done $0x0  }
0x59: {  	[sflag:s4] =	ssyncadd.s32 $0xFFFF9E00  }
0x5a: {  	_ =	swait.ge [sflag:s4], $0x6200  }
0x5b: {  	[sflag:s4] =	ssyncset.done $0x0  }
0x5c: {  	[sflag:s4] =	ssyncadd.s32 $0xFFFF9E00  }
0x5d: {  	_ =	swait.ge [sflag:s24], $0x1000  }
0x5e: {  	[sflag:s24] =	ssyncset.done $0x0  }
0x5f: {  	s13 =	simm.s32 $0x1A740;
	[sflag:s24] =	ssyncadd.s32 $0xFFFFF000  }
0x60: {  	v2 =	vld [tilespmem:s13+$0x20]  }
0x61: {  	v3 =	vld [tilespmem:s13+$0x30]  }
0x62: {  	v4 =	vld [tilespmem:s13+$0xFFFFFFD0]  }
0x63: {  	v5 =	vld [tilespmem:s13+$0xFFFFFFE0]  }
0x64: {  	v6 =	vld [tilespmem:s13+$0xFFFFFFF0]  }
0x65: {  	v7 =	vld [tilespmem:s13+$0x0]  }
0x66: {  	v8 =	vld [tilespmem:s13+$0x10]  }
0x67: {  	s14 =	simm.s32 $0x1A940;
	v9 =	vld [tilespmem:s13+$0xFFFFFFC0]  }
0x68: {  	v12 =	vld [tilespmem:s14+$0x20]  }
0x69: {  	v13 =	vld [tilespmem:s14+$0x30]  }
0x6a: {  	v14 =	vld [tilespmem:s14+$0xFFFFFFD0]  }
0x6b: {  	v15 =	vld [tilespmem:s14+$0xFFFFFFE0]  }
0x6c: {  	v16 =	vld [tilespmem:s14+$0xFFFFFFF0];
	vm0 =	vlt.s32 v2, $0xC400  }
0x6d: {  	v17 =	vld [tilespmem:s14+$0x0];
	vm7 =	vlt.s32 v3, $0xC400  }
0x6e: {  	v18 =	vld [tilespmem:s14+$0x10];
	vm8 =	vlt.s32 v4, $0xC400  }
0x6f: {  	s13 =	simm.s32 $0x18720;
	v19 =	vld [tilespmem:s14+$0xFFFFFFC0];
	vm9 =	vlt.s32 v5, $0xC400  }
0x70: {  	v10 =	vld [tilespmem:s13+$0x10];
	vm1 =	vlt.s32 v6, $0xC400  }
0x71: {  	v11 =	vld [tilespmem:s13+$0xFFFFFFE0];
	vm2 =	vlt.s32 v7, $0xC400  }
0x72: {  	vm3 =	vlt.s32 v8, $0xC400;
	v2 =	vld.idx.msk [tilespmem:v2+s5+$0x0], vm0  }
0x73: {  	vm4 =	vlt.s32 v9, $0xC400;
	v3 =	vld.idx.msk [tilespmem:v3+s5+$0x0], vm7  }
0x74: {  	v4 =	vld.idx.msk [tilespmem:v4+s5+$0x0], vm8  }
0x75: {  	v5 =	vld.idx.msk [tilespmem:v5+s5+$0x0], vm9  }
0x76: {  	v6 =	vld.idx.msk [tilespmem:v6+s5+$0x0], vm1  }
0x77: {  	vm5 =	vlt.s32 v12, $0xC400;
	v7 =	vld.idx.msk [tilespmem:v7+s5+$0x0], vm2  }
0x78: {  	vm6 =	vlt.s32 v13, $0xC400;
	v20 =	vunpack.i.u.bf16.f32 v10;
	v8 =	vld.idx.msk [tilespmem:v8+s5+$0x0], vm3  }
0x79: {  	v10 =	vunpack.i.l.bf16.f32 v10;
	v9 =	vld.idx.msk [tilespmem:v9+s5+$0x0], vm4;
	v3 =	vnsel vm7, $0x0, v3;
	vm7 =	vlt.s32 v14, $0xC400  }
0x7a: {  	v21 =	vld [tilespmem:s13+$0xFFFFFFF0];
	v2 =	vnsel vm0, $0x0, v2;
	v4 =	vnsel vm8, $0x0, v4;
	vm0 =	vlt.s32 v15, $0xC400  }
0x7b: {  	s14 =	simm.s32 $0x18760;
	v22 =	vld [tilespmem:s13+$0x0];
	v5 =	vnsel vm9, $0x0, v5;
	v6 =	vnsel vm1, $0x0, v6;
	vm1 =	vlt.s32 v16, $0xC400  }
0x7c: {  	v23 =	vld [tilespmem:s14+$0x10];
	v7 =	vnsel vm2, $0x0, v7;
	vm2 =	vlt.s32 v17, $0xC400;
	v2 =	vadd.f32 v10, v2  }
0x7d: {  	v12 =	vld.idx.msk [tilespmem:v12+s5+$0x0], vm5;
	v3 =	vadd.f32 v20, v3;
	v10 =	vnsel vm3, $0x0, v8;
	vm3 =	vlt.s32 v18, $0xC400  }
0x7e: {  	v13 =	vld.idx.msk [tilespmem:v13+s5+$0x0], vm6;
	v8 =	vnsel vm4, $0x0, v9;
	v9 =	vunpack.i.l.bf16.f32 v11;
	vm4 =	vlt.s32 v19, $0xC400  }
0x7f: {  	v20 =	vpack.i.f32.bf16 v3, v2;
	v3 =	vadd.f32 v9, v8;
	v2 =	vunpack.i.u.bf16.f32 v11;
	v9 =	vld.idx.msk [tilespmem:v14+s5+$0x0], vm7  }
0x80: {  	v11 =	vunpack.i.l.bf16.f32 v21;
	v8 =	vadd.f32 v2, v4;
	v4 =	vunpack.i.u.bf16.f32 v21;
	v2 =	vld.idx.msk [tilespmem:v15+s5+$0x0], vm0  }
0x81: {  	v11 =	vadd.f32 v11, v5;
	v5 =	vunpack.i.l.bf16.f32 v22;
	v6 =	vadd.f32 v4, v6;
	v4 =	vld.idx.msk [tilespmem:v16+s5+$0x0], vm1  }
0x82: {  	v14 =	vpack.i.f32.bf16 v8, v3;
	v8 =	vadd.f32 v5, v7;
	v5 =	vunpack.i.u.bf16.f32 v22;
	v3 =	vld.idx.msk [tilespmem:v17+s5+$0x0], vm2  }
0x83: {  	[tilespmem:s13+$0x10] =	vst v20;
	v15 =	vunpack.i.u.bf16.f32 v23;
	v10 =	vadd.f32 v5, v10;
	v5 =	vld.idx.msk [tilespmem:v18+s5+$0x0], vm3;
	v7 =	vpack.i.f32.bf16 v6, v11  }
0x84: {  	[tilespmem:s13+$0xFFFFFFE0] =	vst v14;
	v6 =	vld.idx.msk [tilespmem:v19+s5+$0x0], vm4;
	v11 =	vnsel vm5, $0x0, v12;
	v12 =	vnsel vm6, $0x0, v13;
	v13 =	vunpack.i.l.bf16.f32 v23  }
0x85: {  	s16 =	simm.s32 $0x4;
	s17 =	simm.s32 $0x1AB40;
	[tilespmem:s13+$0xFFFFFFF0] =	vst v7;
	v11 =	vadd.f32 v13, v11;
	v12 =	vadd.f32 v15, v12;
	v7 =	vnsel vm7, $0x0, v9;
	v9 =	vld [tilespmem:s14+$0xFFFFFFE0]  }
.LBB2_13:
0x86: {  	v13 =	vld [tilespmem:s17+$0x20];
	v14 =	vnsel vm0, $0x0, v2;
	v2 =	vpack.i.f32.bf16 v10, v8  }
0x87: {  	s16 =	sadd.s32 $0x4, s16;
	v10 =	vnsel vm1, $0x0, v4;
	v8 =	vld [tilespmem:s17+$0x30];
	v4 =	vpack.i.f32.bf16 v12, v11;
	[tilespmem:s13+$0x0] =	vst v2;
	s13 =	smov.u32 s14  }
0x88: {  	p0 =	slt.u32 s16, $0x7C;
	v3 =	vnsel vm2, $0x0, v3;
	v2 =	vld [tilespmem:s17+$0xFFFFFFD0];
	[tilespmem:s14+$0x10] =	vst v4  }
0x89: {  	v5 =	vnsel vm3, $0x0, v5;
	v4 =	vld [tilespmem:s17+$0xFFFFFFE0]  }
0x8a: {  	v6 =	vnsel vm4, $0x0, v6;
	v11 =	vld [tilespmem:s17+$0xFFFFFFF0];
	v12 =	vunpack.i.u.bf16.f32 v9;
	v9 =	vunpack.i.l.bf16.f32 v9  }
0x8b: {  	v15 =	vld [tilespmem:s17+$0x0];
	vm5 =	vlt.s32 v13, $0xC400;
	v6 =	vadd.f32 v9, v6;
	v7 =	vadd.f32 v12, v7  }
0x8c: {  	v9 =	vld [tilespmem:s17+$0x10];
	vm7 =	vlt.s32 v8, $0xC400  }
0x8d: {  	v12 =	vld [tilespmem:s17+$0xFFFFFFC0];
	vm6 =	vlt.s32 v2, $0xC400;
	v6 =	vpack.i.f32.bf16 v7, v6  }
0x8e: {  	vm0 =	vlt.s32 v4, $0xC400;
	[tilespmem:s14+$0xFFFFFFE0] =	vst v6;
	v6 =	vld [tilespmem:s14+$0xFFFFFFF0]  }
0x8f: {  	s14 =	sadd.s32 $0x40, s14;
	vm1 =	vlt.s32 v11, $0xC400;
	v7 =	vld [tilespmem:s13+$0x0]  }
0x90: {  	vm2 =	vlt.s32 v15, $0xC400;
	v16 =	vld [tilespmem:s14+$0x10]  }
0x91: {  	vm3 =	vlt.s32 v9, $0xC400;
	v13 =	vld.idx.msk [tilespmem:v13+s5+$0x0], vm5  }
0x92: {  	vm4 =	vlt.s32 v12, $0xC400;
	v17 =	vld.idx.msk [tilespmem:v8+s5+$0x0], vm7  }
0x93: {  	v18 =	vld.idx.msk [tilespmem:v2+s5+$0x0], vm6;
	v8 =	vunpack.i.u.bf16.f32 v6;
	v6 =	vunpack.i.l.bf16.f32 v6  }
0x94: {  	v2 =	vld.idx.msk [tilespmem:v4+s5+$0x0], vm0;
	v6 =	vadd.f32 v6, v14;
	v14 =	vunpack.i.u.bf16.f32 v7;
	v7 =	vunpack.i.l.bf16.f32 v7  }
.Ltmp5:
0x95: {  	v4 =	vld.idx.msk [tilespmem:v11+s5+$0x0], vm1;
	v11 =	vadd.f32 v8, v10;
	v8 =	vadd.f32 v7, v3;
	(pc) =	sbr.rel @p0 .LBB2_13-.Ltmp5, $4  }
0x96: {  	v10 =	vadd.f32 v14, v5;
	v3 =	vld.idx.msk [tilespmem:v15+s5+$0x0], vm2  }
0x97: {  	v14 =	vunpack.i.u.bf16.f32 v16;
	v5 =	vld.idx.msk [tilespmem:v9+s5+$0x0], vm3;
	v7 =	vpack.i.f32.bf16 v11, v6  }
0x98: {  	v11 =	vnsel vm5, $0x0, v13;
	v13 =	vunpack.i.l.bf16.f32 v16;
	v6 =	vld.idx.msk [tilespmem:v12+s5+$0x0], vm4;
	v12 =	vnsel vm7, $0x0, v17;
	[tilespmem:s13+$0xFFFFFFF0] =	vst v7  }
0x99: {  	s17 =	sadd.s32 $0x200, s17;
	v7 =	vnsel vm6, $0x0, v18;
	v11 =	vadd.f32 v13, v11;
	v9 =	vld [tilespmem:s14+$0xFFFFFFE0];
	v12 =	vadd.f32 v14, v12  }
0x9a: {  	v13 =	vld [tilespmem:s14+$0xFFFFFFF0]  }
0x9b: {  	v8 =	vpack.i.f32.bf16 v10, v8;
	v10 =	vld [tilespmem:s14+$0x0]  }
0x9c: {  	v2 =	vnsel vm0, $0x0, v2  }
0x9d: {  	v4 =	vnsel vm1, $0x0, v4;
	v11 =	vpack.i.f32.bf16 v12, v11;
	v3 =	vnsel vm2, $0x0, v3  }
0x9e: {  	v5 =	vnsel vm3, $0x0, v5;
	v6 =	vnsel vm4, $0x0, v6;
	v12 =	vunpack.i.l.bf16.f32 v9  }
0x9f: {  	v9 =	vunpack.i.u.bf16.f32 v9;
	v6 =	vadd.f32 v12, v6;
	v12 =	vunpack.i.l.bf16.f32 v13  }
0xa0: {  	[tilespmem:s13+$0x0] =	vst v8;
	v7 =	vadd.f32 v9, v7;
	v9 =	vunpack.i.u.bf16.f32 v13;
	v8 =	vunpack.i.u.bf16.f32 v10  }
0xa1: {  	v10 =	vunpack.i.l.bf16.f32 v10;
	v2 =	vadd.f32 v12, v2;
	v4 =	vadd.f32 v9, v4  }
0xa2: {  	[tilespmem:s14+$0x10] =	vst v11;
	v3 =	vadd.f32 v10, v3;
	v5 =	vadd.f32 v8, v5;
	v6 =	vpack.i.f32.bf16 v7, v6  }
0xa3: {  	[tilespmem:s14+$0xFFFFFFE0] =	vst v6;
	v2 =	vpack.i.f32.bf16 v4, v2  }
0xa4: {  	[tilespmem:s14+$0xFFFFFFF0] =	vst v2;
	v2 =	vpack.i.f32.bf16 v5, v3  }
0xa5: {  	[tilespmem:s14+$0x0] =	vst v2  }
0xa6: {  	_ =	swait.ge [sflag:s24], $0x1000  }
0xa7: {  	[sflag:s24] =	ssyncset.done $0x0  }
0xa8: {  	s25 =	simm.s32 $0x1A7F0;
	[sflag:s24] =	ssyncadd.s32 $0xFFFFF000  }
0xa9: {  	v3 =	vld [tilespmem:s25+$0xFFFFFFF0]  }
0xaa: {  	v4 =	vld [tilespmem:s25+$0x0]  }
0xab: {  	v5 =	vld [tilespmem:s25+$0xFFFFFFA0]  }
0xac: {  	v6 =	vld [tilespmem:s25+$0xFFFFFFB0]  }
0xad: {  	v7 =	vld [tilespmem:s25+$0xFFFFFFC0]  }
0xae: {  	v8 =	vld [tilespmem:s25+$0xFFFFFFD0];
	vm5 =	vlt.s32 v3, $0xC400  }
0xaf: {  	v10 =	vld [tilespmem:s25+$0xFFFFFFE0];
	vm6 =	vlt.s32 v4, $0xC400  }
0xb0: {  	s16 =	simm.s32 $0x0;
	v11 =	vld [tilespmem:s25+$0xFFFFFF90];
	vm7 =	vlt.s32 v5, $0xC400  }
0xb1: {  	s13 =	sand.u32 $0x7C0, s16;
	vm0 =	vlt.s32 v6, $0xC400  }
0xb2: {  	s14 =	simm.s32 $0x18F30;
	v2 =	vld [tilespmem:s13+$0x18F00];
	vm4 =	vlt.s32 v7, $0xC400  }
0xb3: {  	v12 =	vld [tilespmem:s14+$0x0];
	vm3 =	vlt.s32 v8, $0xC400  }
0xb4: {  	vm1 =	vlt.s32 v10, $0xC400;
	v13 =	vld.idx.msk [tilespmem:v3+s5+$0x0], vm5  }
0xb5: {  	vm2 =	vlt.s32 v11, $0xC400;
	v14 =	vld.idx.msk [tilespmem:v4+s5+$0x0], vm6  }
0xb6: {  	v15 =	vld.idx.msk [tilespmem:v5+s5+$0x0], vm7  }
0xb7: {  	v6 =	vld.idx.msk [tilespmem:v6+s5+$0x0], vm0  }
0xb8: {  	v7 =	vld.idx.msk [tilespmem:v7+s5+$0x0], vm4  }
0xb9: {  	v4 =	vld.idx.msk [tilespmem:v8+s5+$0x0], vm3  }
0xba: {  	v9 =	vunpack.i.u.bf16.f32 v2;
	v16 =	vunpack.i.u.bf16.f32 v12;
	v3 =	vld.idx.msk [tilespmem:v10+s5+$0x0], vm1  }
0xbb: {  	v5 =	vld.idx.msk [tilespmem:v11+s5+$0x0], vm2;
	v10 =	vnsel vm5, $0x0, v13;
	v11 =	vnsel vm6, $0x0, v14;
	v13 =	vunpack.i.l.bf16.f32 v12  }
0xbc: {  	s22 =	simm.s32 $0x0;
	s23 =	simm.s32 $0x1A9F0;
	s17 =	simm.s32 $0x18F30;
	v8 =	vld [tilespmem:s14+$0xFFFFFFE0];
	v12 =	vnsel vm7, $0x0, v15;
	v10 =	vadd.f32 v13, v10;
	v11 =	vadd.f32 v16, v11  }
.LBB2_15:
0xbd: {  	v13 =	vld [tilespmem:s23+$0xFFFFFFF0];
	v9 =	vadd.f32 v9, v12;
	v6 =	vnsel vm0, $0x0, v6  }
0xbe: {  	s22 =	sadd.s32 $0x4, s22;
	v7 =	vnsel vm4, $0x0, v7;
	v12 =	vld [tilespmem:s23+$0x0];
	v10 =	vpack.i.f32.bf16 v11, v10  }
0xbf: {  	p0 =	slt.u32 s22, $0x7C;
	v4 =	vnsel vm3, $0x0, v4;
	v11 =	vld [tilespmem:s23+$0xFFFFFFA0];
	[tilespmem:s14+$0x0] =	vst v10  }
0xc0: {  	v2 =	vunpack.i.l.bf16.f32 v2;
	v3 =	vnsel vm1, $0x0, v3;
	v10 =	vld [tilespmem:s23+$0xFFFFFFB0]  }
0xc1: {  	v5 =	vnsel vm2, $0x0, v5;
	v14 =	vld [tilespmem:s23+$0xFFFFFFC0];
	v15 =	vunpack.i.u.bf16.f32 v8;
	v8 =	vunpack.i.l.bf16.f32 v8  }
0xc2: {  	v2 =	vadd.f32 v2, v5;
	v16 =	vld [tilespmem:s23+$0xFFFFFFD0];
	vm5 =	vlt.s32 v13, $0xC400;
	v5 =	vadd.f32 v8, v6  }
0xc3: {  	v6 =	vadd.f32 v15, v7;
	v8 =	vld [tilespmem:s23+$0xFFFFFFE0];
	vm6 =	vlt.s32 v12, $0xC400  }
0xc4: {  	s16 =	sadd.s32 $0x40, s16;
	v2 =	vpack.i.f32.bf16 v9, v2;
	v15 =	vld [tilespmem:s23+$0xFFFFFF90];
	vm7 =	vlt.s32 v11, $0xC400  }
0xc5: {  	v5 =	vpack.i.f32.bf16 v6, v5;
	vm0 =	vlt.s32 v10, $0xC400;
	[tilespmem:s13+$0x18F00] =	vst v2;
	s13 =	sand.u32 $0x7C0, s16;
	v6 =	vld [tilespmem:s14+$0xFFFFFFF0]  }
0xc6: {  	s14 =	sadd.s32 $0x40, s14;
	v2 =	vld [tilespmem:s13+$0x18F00];
	vm4 =	vlt.s32 v14, $0xC400;
	[tilespmem:s17+$0xFFFFFFE0] =	vst v5  }
0xc7: {  	vm3 =	vlt.s32 v16, $0xC400;
	v17 =	vld [tilespmem:s14+$0x0]  }
0xc8: {  	vm1 =	vlt.s32 v8, $0xC400;
	v13 =	vld.idx.msk [tilespmem:v13+s5+$0x0], vm5  }
0xc9: {  	vm2 =	vlt.s32 v15, $0xC400;
	v12 =	vld.idx.msk [tilespmem:v12+s5+$0x0], vm6  }
0xca: {  	v11 =	vld.idx.msk [tilespmem:v11+s5+$0x0], vm7;
	v5 =	vunpack.i.u.bf16.f32 v6;
	v7 =	vunpack.i.l.bf16.f32 v6  }
0xcb: {  	v6 =	vld.idx.msk [tilespmem:v10+s5+$0x0], vm0;
	v9 =	vadd.f32 v7, v4;
	v3 =	vadd.f32 v5, v3  }
.Ltmp6:
0xcc: {  	v7 =	vld.idx.msk [tilespmem:v14+s5+$0x0], vm4;
	(pc) =	sbr.rel @p0 .LBB2_15-.Ltmp6, $4  }
0xcd: {  	v4 =	vld.idx.msk [tilespmem:v16+s5+$0x0], vm3;
	v5 =	vpack.i.f32.bf16 v3, v9  }
0xce: {  	v14 =	vunpack.i.u.bf16.f32 v17;
	v9 =	vunpack.i.u.bf16.f32 v2;
	v3 =	vld.idx.msk [tilespmem:v8+s5+$0x0], vm1;
	[tilespmem:s17+$0xFFFFFFF0] =	vst v5;
	s17 =	smov.u32 s14  }
0xcf: {  	v10 =	vnsel vm5, $0x0, v13;
	v13 =	vnsel vm6, $0x0, v12;
	v5 =	vld.idx.msk [tilespmem:v15+s5+$0x0], vm2;
	v15 =	vunpack.i.l.bf16.f32 v17  }
0xd0: {  	s23 =	sadd.s32 $0x200, s23;
	v12 =	vnsel vm7, $0x0, v11;
	v11 =	vadd.f32 v14, v13;
	v8 =	vld [tilespmem:s14+$0xFFFFFFE0];
	v10 =	vadd.f32 v15, v10  }
0xd1: {  	_ = 	snop  }
0xd2: {  	v13 =	vld [tilespmem:s14+$0xFFFFFFF0]  }
0xd3: {  	v9 =	vadd.f32 v9, v12;
	v6 =	vnsel vm0, $0x0, v6;
	v7 =	vnsel vm4, $0x0, v7  }
0xd4: {  	v2 =	vunpack.i.l.bf16.f32 v2;
	v10 =	vpack.i.f32.bf16 v11, v10;
	v4 =	vnsel vm3, $0x0, v4  }
0xd5: {  	v3 =	vnsel vm1, $0x0, v3;
	v5 =	vnsel vm2, $0x0, v5;
	v11 =	vunpack.i.l.bf16.f32 v8  }
0xd6: {  	v8 =	vunpack.i.u.bf16.f32 v8;
	v2 =	vadd.f32 v2, v5;
	v5 =	vadd.f32 v11, v6  }
0xd7: {  	v6 =	vadd.f32 v8, v7;
	v7 =	vunpack.i.u.bf16.f32 v13;
	v8 =	vunpack.i.l.bf16.f32 v13  }
0xd8: {  	[tilespmem:s14+$0x0] =	vst v10;
	v2 =	vpack.i.f32.bf16 v9, v2;
	v4 =	vadd.f32 v8, v4;
	v3 =	vadd.f32 v7, v3  }
0xd9: {  	[tilespmem:s13+$0x18F00] =	vst v2;
	v2 =	vpack.i.f32.bf16 v6, v5  }
0xda: {  	[tilespmem:s17+$0xFFFFFFE0] =	vst v2;
	v2 =	vpack.i.f32.bf16 v3, v4  }
0xdb: {  	[tilespmem:s17+$0xFFFFFFF0] =	vst v2  }
0xdc: {  	_ =	swait.ge [sflag:s24], $0x1000  }
0xdd: {  	[sflag:s24] =	ssyncset.done $0x0  }
0xde: {  	s25 =	simm.s32 $0x1A870;
	[sflag:s24] =	ssyncadd.s32 $0xFFFFF000  }
0xdf: {  	v3 =	vld [tilespmem:s25+$0xFFFFFFF0]  }
0xe0: {  	v4 =	vld [tilespmem:s25+$0x0]  }
0xe1: {  	v5 =	vld [tilespmem:s25+$0xFFFFFFA0]  }
0xe2: {  	v6 =	vld [tilespmem:s25+$0xFFFFFFB0]  }
0xe3: {  	v7 =	vld [tilespmem:s25+$0xFFFFFFC0]  }
0xe4: {  	v8 =	vld [tilespmem:s25+$0xFFFFFFD0];
	vm5 =	vlt.s32 v3, $0xC400  }
0xe5: {  	v10 =	vld [tilespmem:s25+$0xFFFFFFE0];
	vm6 =	vlt.s32 v4, $0xC400  }
0xe6: {  	s16 =	simm.s32 $0x0;
	v11 =	vld [tilespmem:s25+$0xFFFFFF90];
	vm7 =	vlt.s32 v5, $0xC400  }
0xe7: {  	s13 =	sand.u32 $0x7C0, s16;
	vm0 =	vlt.s32 v6, $0xC400  }
0xe8: {  	s14 =	simm.s32 $0x19730;
	v2 =	vld [tilespmem:s13+$0x19700];
	vm4 =	vlt.s32 v7, $0xC400  }
0xe9: {  	v12 =	vld [tilespmem:s14+$0x0];
	vm3 =	vlt.s32 v8, $0xC400  }
0xea: {  	vm1 =	vlt.s32 v10, $0xC400;
	v13 =	vld.idx.msk [tilespmem:v3+s5+$0x0], vm5  }
0xeb: {  	vm2 =	vlt.s32 v11, $0xC400;
	v14 =	vld.idx.msk [tilespmem:v4+s5+$0x0], vm6  }
0xec: {  	v15 =	vld.idx.msk [tilespmem:v5+s5+$0x0], vm7  }
0xed: {  	v6 =	vld.idx.msk [tilespmem:v6+s5+$0x0], vm0  }
0xee: {  	v7 =	vld.idx.msk [tilespmem:v7+s5+$0x0], vm4  }
0xef: {  	v4 =	vld.idx.msk [tilespmem:v8+s5+$0x0], vm3  }
0xf0: {  	v9 =	vunpack.i.u.bf16.f32 v2;
	v16 =	vunpack.i.u.bf16.f32 v12;
	v3 =	vld.idx.msk [tilespmem:v10+s5+$0x0], vm1  }
0xf1: {  	v5 =	vld.idx.msk [tilespmem:v11+s5+$0x0], vm2;
	v10 =	vnsel vm5, $0x0, v13;
	v11 =	vnsel vm6, $0x0, v14;
	v13 =	vunpack.i.l.bf16.f32 v12  }
0xf2: {  	s22 =	simm.s32 $0x0;
	s23 =	simm.s32 $0x1AA70;
	s17 =	simm.s32 $0x19730;
	v8 =	vld [tilespmem:s14+$0xFFFFFFE0];
	v12 =	vnsel vm7, $0x0, v15;
	v10 =	vadd.f32 v13, v10;
	v11 =	vadd.f32 v16, v11  }
.LBB2_17:
0xf3: {  	v13 =	vld [tilespmem:s23+$0xFFFFFFF0];
	v9 =	vadd.f32 v9, v12;
	v6 =	vnsel vm0, $0x0, v6  }
0xf4: {  	s22 =	sadd.s32 $0x4, s22;
	v7 =	vnsel vm4, $0x0, v7;
	v12 =	vld [tilespmem:s23+$0x0];
	v10 =	vpack.i.f32.bf16 v11, v10  }
0xf5: {  	p0 =	slt.u32 s22, $0x7C;
	v4 =	vnsel vm3, $0x0, v4;
	v11 =	vld [tilespmem:s23+$0xFFFFFFA0];
	[tilespmem:s14+$0x0] =	vst v10  }
0xf6: {  	v2 =	vunpack.i.l.bf16.f32 v2;
	v3 =	vnsel vm1, $0x0, v3;
	v10 =	vld [tilespmem:s23+$0xFFFFFFB0]  }
0xf7: {  	v5 =	vnsel vm2, $0x0, v5;
	v14 =	vld [tilespmem:s23+$0xFFFFFFC0];
	v15 =	vunpack.i.u.bf16.f32 v8;
	v8 =	vunpack.i.l.bf16.f32 v8  }
0xf8: {  	v2 =	vadd.f32 v2, v5;
	v16 =	vld [tilespmem:s23+$0xFFFFFFD0];
	vm5 =	vlt.s32 v13, $0xC400;
	v5 =	vadd.f32 v8, v6  }
0xf9: {  	v6 =	vadd.f32 v15, v7;
	v8 =	vld [tilespmem:s23+$0xFFFFFFE0];
	vm6 =	vlt.s32 v12, $0xC400  }
0xfa: {  	s16 =	sadd.s32 $0x40, s16;
	v2 =	vpack.i.f32.bf16 v9, v2;
	v15 =	vld [tilespmem:s23+$0xFFFFFF90];
	vm7 =	vlt.s32 v11, $0xC400  }
0xfb: {  	v5 =	vpack.i.f32.bf16 v6, v5;
	vm0 =	vlt.s32 v10, $0xC400;
	[tilespmem:s13+$0x19700] =	vst v2;
	s13 =	sand.u32 $0x7C0, s16;
	v6 =	vld [tilespmem:s14+$0xFFFFFFF0]  }
0xfc: {  	s14 =	sadd.s32 $0x40, s14;
	v2 =	vld [tilespmem:s13+$0x19700];
	vm4 =	vlt.s32 v14, $0xC400;
	[tilespmem:s17+$0xFFFFFFE0] =	vst v5  }
0xfd: {  	vm3 =	vlt.s32 v16, $0xC400;
	v17 =	vld [tilespmem:s14+$0x0]  }
0xfe: {  	vm1 =	vlt.s32 v8, $0xC400;
	v13 =	vld.idx.msk [tilespmem:v13+s5+$0x0], vm5  }
0xff: {  	vm2 =	vlt.s32 v15, $0xC400;
	v12 =	vld.idx.msk [tilespmem:v12+s5+$0x0], vm6  }
0x100: {  	v11 =	vld.idx.msk [tilespmem:v11+s5+$0x0], vm7;
	v5 =	vunpack.i.u.bf16.f32 v6;
	v7 =	vunpack.i.l.bf16.f32 v6  }
0x101: {  	v6 =	vld.idx.msk [tilespmem:v10+s5+$0x0], vm0;
	v9 =	vadd.f32 v7, v4;
	v3 =	vadd.f32 v5, v3  }
.Ltmp7:
0x102: {  	v7 =	vld.idx.msk [tilespmem:v14+s5+$0x0], vm4;
	(pc) =	sbr.rel @p0 .LBB2_17-.Ltmp7, $4  }
0x103: {  	v4 =	vld.idx.msk [tilespmem:v16+s5+$0x0], vm3;
	v5 =	vpack.i.f32.bf16 v3, v9  }
0x104: {  	v14 =	vunpack.i.u.bf16.f32 v17;
	v9 =	vunpack.i.u.bf16.f32 v2;
	v3 =	vld.idx.msk [tilespmem:v8+s5+$0x0], vm1;
	[tilespmem:s17+$0xFFFFFFF0] =	vst v5;
	s17 =	smov.u32 s14  }
0x105: {  	v10 =	vnsel vm5, $0x0, v13;
	v13 =	vnsel vm6, $0x0, v12;
	v5 =	vld.idx.msk [tilespmem:v15+s5+$0x0], vm2;
	v15 =	vunpack.i.l.bf16.f32 v17  }
0x106: {  	s23 =	sadd.s32 $0x200, s23;
	v12 =	vnsel vm7, $0x0, v11;
	v11 =	vadd.f32 v14, v13;
	v8 =	vld [tilespmem:s14+$0xFFFFFFE0];
	v10 =	vadd.f32 v15, v10  }
0x107: {  	_ = 	snop  }
0x108: {  	v13 =	vld [tilespmem:s14+$0xFFFFFFF0]  }
0x109: {  	v9 =	vadd.f32 v9, v12;
	v6 =	vnsel vm0, $0x0, v6;
	v7 =	vnsel vm4, $0x0, v7  }
0x10a: {  	v2 =	vunpack.i.l.bf16.f32 v2;
	v10 =	vpack.i.f32.bf16 v11, v10;
	v4 =	vnsel vm3, $0x0, v4  }
0x10b: {  	v3 =	vnsel vm1, $0x0, v3;
	v5 =	vnsel vm2, $0x0, v5;
	v11 =	vunpack.i.l.bf16.f32 v8  }
0x10c: {  	v8 =	vunpack.i.u.bf16.f32 v8;
	v2 =	vadd.f32 v2, v5;
	v5 =	vadd.f32 v11, v6  }
0x10d: {  	v6 =	vadd.f32 v8, v7;
	v7 =	vunpack.i.u.bf16.f32 v13;
	v8 =	vunpack.i.l.bf16.f32 v13  }
0x10e: {  	[tilespmem:s14+$0x0] =	vst v10;
	v2 =	vpack.i.f32.bf16 v9, v2;
	v4 =	vadd.f32 v8, v4;
	v3 =	vadd.f32 v7, v3  }
0x10f: {  	[tilespmem:s13+$0x19700] =	vst v2;
	v2 =	vpack.i.f32.bf16 v6, v5  }
0x110: {  	[tilespmem:s17+$0xFFFFFFE0] =	vst v2;
	v2 =	vpack.i.f32.bf16 v3, v4  }
0x111: {  	[tilespmem:s17+$0xFFFFFFF0] =	vst v2  }
0x112: {  	_ =	swait.ge [sflag:s24], $0x1000  }
0x113: {  	[sflag:s24] =	ssyncset.done $0x0  }
0x114: {  	s25 =	simm.s32 $0x1A8F0;
	[sflag:s24] =	ssyncadd.s32 $0xFFFFF000  }
0x115: {  	v3 =	vld [tilespmem:s25+$0xFFFFFFF0]  }
0x116: {  	v4 =	vld [tilespmem:s25+$0x0]  }
0x117: {  	v5 =	vld [tilespmem:s25+$0xFFFFFFA0]  }
0x118: {  	v6 =	vld [tilespmem:s25+$0xFFFFFFB0]  }
0x119: {  	v7 =	vld [tilespmem:s25+$0xFFFFFFC0]  }
0x11a: {  	v8 =	vld [tilespmem:s25+$0xFFFFFFD0];
	vm5 =	vlt.s32 v3, $0xC400  }
0x11b: {  	v10 =	vld [tilespmem:s25+$0xFFFFFFE0];
	vm6 =	vlt.s32 v4, $0xC400  }
0x11c: {  	s16 =	simm.s32 $0x0;
	v11 =	vld [tilespmem:s25+$0xFFFFFF90];
	vm7 =	vlt.s32 v5, $0xC400  }
0x11d: {  	s13 =	sand.u32 $0x7C0, s16;
	vm0 =	vlt.s32 v6, $0xC400  }
0x11e: {  	s14 =	simm.s32 $0x19F30;
	v2 =	vld [tilespmem:s13+$0x19F00];
	vm4 =	vlt.s32 v7, $0xC400  }
0x11f: {  	v12 =	vld [tilespmem:s14+$0x0];
	vm3 =	vlt.s32 v8, $0xC400  }
0x120: {  	vm1 =	vlt.s32 v10, $0xC400;
	v13 =	vld.idx.msk [tilespmem:v3+s5+$0x0], vm5  }
0x121: {  	vm2 =	vlt.s32 v11, $0xC400;
	v14 =	vld.idx.msk [tilespmem:v4+s5+$0x0], vm6  }
0x122: {  	v15 =	vld.idx.msk [tilespmem:v5+s5+$0x0], vm7  }
0x123: {  	v6 =	vld.idx.msk [tilespmem:v6+s5+$0x0], vm0  }
0x124: {  	v7 =	vld.idx.msk [tilespmem:v7+s5+$0x0], vm4  }
0x125: {  	v4 =	vld.idx.msk [tilespmem:v8+s5+$0x0], vm3  }
0x126: {  	v9 =	vunpack.i.u.bf16.f32 v2;
	v16 =	vunpack.i.u.bf16.f32 v12;
	v3 =	vld.idx.msk [tilespmem:v10+s5+$0x0], vm1  }
0x127: {  	v5 =	vld.idx.msk [tilespmem:v11+s5+$0x0], vm2;
	v10 =	vnsel vm5, $0x0, v13;
	v11 =	vnsel vm6, $0x0, v14;
	v13 =	vunpack.i.l.bf16.f32 v12  }
0x128: {  	s22 =	simm.s32 $0x0;
	s23 =	simm.s32 $0x1AAF0;
	s17 =	simm.s32 $0x19F30;
	v8 =	vld [tilespmem:s14+$0xFFFFFFE0];
	v12 =	vnsel vm7, $0x0, v15;
	v10 =	vadd.f32 v13, v10;
	v11 =	vadd.f32 v16, v11  }
.LBB2_19:
0x129: {  	v13 =	vld [tilespmem:s23+$0xFFFFFFF0];
	v9 =	vadd.f32 v9, v12;
	v6 =	vnsel vm0, $0x0, v6  }
0x12a: {  	s22 =	sadd.s32 $0x4, s22;
	v7 =	vnsel vm4, $0x0, v7;
	v12 =	vld [tilespmem:s23+$0x0];
	v10 =	vpack.i.f32.bf16 v11, v10  }
0x12b: {  	p0 =	slt.u32 s22, $0x7C;
	v4 =	vnsel vm3, $0x0, v4;
	v11 =	vld [tilespmem:s23+$0xFFFFFFA0];
	[tilespmem:s14+$0x0] =	vst v10  }
0x12c: {  	v2 =	vunpack.i.l.bf16.f32 v2;
	v3 =	vnsel vm1, $0x0, v3;
	v10 =	vld [tilespmem:s23+$0xFFFFFFB0]  }
0x12d: {  	v5 =	vnsel vm2, $0x0, v5;
	v14 =	vld [tilespmem:s23+$0xFFFFFFC0];
	v15 =	vunpack.i.u.bf16.f32 v8;
	v8 =	vunpack.i.l.bf16.f32 v8  }
0x12e: {  	v2 =	vadd.f32 v2, v5;
	v16 =	vld [tilespmem:s23+$0xFFFFFFD0];
	vm5 =	vlt.s32 v13, $0xC400;
	v5 =	vadd.f32 v8, v6  }
0x12f: {  	v6 =	vadd.f32 v15, v7;
	v8 =	vld [tilespmem:s23+$0xFFFFFFE0];
	vm6 =	vlt.s32 v12, $0xC400  }
0x130: {  	s16 =	sadd.s32 $0x40, s16;
	v2 =	vpack.i.f32.bf16 v9, v2;
	v15 =	vld [tilespmem:s23+$0xFFFFFF90];
	vm7 =	vlt.s32 v11, $0xC400  }
0x131: {  	v5 =	vpack.i.f32.bf16 v6, v5;
	vm0 =	vlt.s32 v10, $0xC400;
	[tilespmem:s13+$0x19F00] =	vst v2;
	s13 =	sand.u32 $0x7C0, s16;
	v6 =	vld [tilespmem:s14+$0xFFFFFFF0]  }
0x132: {  	s14 =	sadd.s32 $0x40, s14;
	v2 =	vld [tilespmem:s13+$0x19F00];
	vm4 =	vlt.s32 v14, $0xC400;
	[tilespmem:s17+$0xFFFFFFE0] =	vst v5  }
0x133: {  	vm3 =	vlt.s32 v16, $0xC400;
	v17 =	vld [tilespmem:s14+$0x0]  }
0x134: {  	vm1 =	vlt.s32 v8, $0xC400;
	v13 =	vld.idx.msk [tilespmem:v13+s5+$0x0], vm5  }
0x135: {  	vm2 =	vlt.s32 v15, $0xC400;
	v12 =	vld.idx.msk [tilespmem:v12+s5+$0x0], vm6  }
0x136: {  	v11 =	vld.idx.msk [tilespmem:v11+s5+$0x0], vm7;
	v5 =	vunpack.i.u.bf16.f32 v6;
	v7 =	vunpack.i.l.bf16.f32 v6  }
0x137: {  	v6 =	vld.idx.msk [tilespmem:v10+s5+$0x0], vm0;
	v9 =	vadd.f32 v7, v4;
	v3 =	vadd.f32 v5, v3  }
.Ltmp8:
0x138: {  	v7 =	vld.idx.msk [tilespmem:v14+s5+$0x0], vm4;
	(pc) =	sbr.rel @p0 .LBB2_19-.Ltmp8, $4  }
0x139: {  	v4 =	vld.idx.msk [tilespmem:v16+s5+$0x0], vm3;
	v5 =	vpack.i.f32.bf16 v3, v9  }
0x13a: {  	v14 =	vunpack.i.u.bf16.f32 v17;
	v9 =	vunpack.i.u.bf16.f32 v2;
	v3 =	vld.idx.msk [tilespmem:v8+s5+$0x0], vm1;
	[tilespmem:s17+$0xFFFFFFF0] =	vst v5;
	s17 =	smov.u32 s14  }
0x13b: {  	v10 =	vnsel vm5, $0x0, v13;
	v13 =	vnsel vm6, $0x0, v12;
	v5 =	vld.idx.msk [tilespmem:v15+s5+$0x0], vm2;
	v15 =	vunpack.i.l.bf16.f32 v17  }
0x13c: {  	s23 =	sadd.s32 $0x200, s23;
	v12 =	vnsel vm7, $0x0, v11;
	v11 =	vadd.f32 v14, v13;
	v8 =	vld [tilespmem:s14+$0xFFFFFFE0];
	v10 =	vadd.f32 v15, v10  }
0x13d: {  	_ = 	snop  }
0x13e: {  	v13 =	vld [tilespmem:s14+$0xFFFFFFF0]  }
0x13f: {  	v9 =	vadd.f32 v9, v12;
	v6 =	vnsel vm0, $0x0, v6;
	v7 =	vnsel vm4, $0x0, v7  }
0x140: {  	v2 =	vunpack.i.l.bf16.f32 v2;
	v10 =	vpack.i.f32.bf16 v11, v10;
	v4 =	vnsel vm3, $0x0, v4  }
0x141: {  	v3 =	vnsel vm1, $0x0, v3;
	v5 =	vnsel vm2, $0x0, v5;
	v11 =	vunpack.i.l.bf16.f32 v8  }
0x142: {  	v8 =	vunpack.i.u.bf16.f32 v8;
	v2 =	vadd.f32 v2, v5;
	v5 =	vadd.f32 v11, v6  }
0x143: {  	v6 =	vadd.f32 v8, v7;
	v7 =	vunpack.i.u.bf16.f32 v13;
	v8 =	vunpack.i.l.bf16.f32 v13  }
0x144: {  	[tilespmem:s14+$0x0] =	vst v10;
	v2 =	vpack.i.f32.bf16 v9, v2;
	v4 =	vadd.f32 v8, v4;
	v3 =	vadd.f32 v7, v3  }
0x145: {  	[tilespmem:s13+$0x19F00] =	vst v2;
	v2 =	vpack.i.f32.bf16 v6, v5  }
0x146: {  	[tilespmem:s17+$0xFFFFFFE0] =	vst v2;
	v2 =	vpack.i.f32.bf16 v3, v4  }
0x147: {  	[tilespmem:s17+$0xFFFFFFF0] =	vst v2  }
0x148: {  	_ =	swait.ge [sflag:s29], $0x6180  }
0x149: {  	[sflag:s29] =	ssyncset.done $0x0  }
0x14a: {  	p0 =	seq.s32 s12, $0x19;
	[sflag:s29] =	ssyncadd.s32 $0xFFFF9E80  }
0x14b: {  	s13 =	smul.u32 @!p0 $0x30E000, s12;
	_ =	swait.ge [sflag:s29], $0x6100  }
0x14c: {  	s16 =	simm.s32 @!p0 $0x80;
	[sflag:s29] =	ssyncset.done $0x0  }
0x14d: {  	s22 =	simm.s32 @!p0 $0x0;
	s13 =	sadd.s32 @!p0 s13, s21;
	[sflag:s29] =	ssyncadd.s32 $0xFFFF9F00  }
0x14e: {  	s17 =	simm.s32 @!p0 $0x400;
	s14 =	sor.u32 @!p0 s7, s13;
	_ =	swait.ge [sflag:s29], $0x80  }
0x14f: {  	s13 =	sadd.s32 @!p0 s18, s13;
	s14 =	sshrl.u32 @!p0 s14, $0x3;
	[sflag:s29] =	ssyncset.done $0x0  }
0x150: {  	s13 =	sshrl.u32 @!p0 s13, $0x3;
	s14 =	sadd.s32 @!p0 s1, s14;
	[sflag:s29] =	ssyncadd.s32 $0xFFFFFF80  }
0x151: {  	[tilespmem:s22], [sflag:$0x1] =	stream.strided.gather @!p0 [hbm4b:s14+s16], $0x6200, s17, s16, $0x38;
	[tilespmem:$0x1E780] =	vst v63  }
0x152: {  	s23 =	simm.s32 $0x1A740;
	s13 =	sadd.s32 @!p0 s1, s13;
	s14 =	simm.s32 @!p0 $0x6200  }
0x153: {  	[tilespmem:s14], [sflag:$0x1] =	stream.strided.gather @!p0 [hbm4b:s13+s16], $0x6200, s17, s16, $0x38;
	[tilespmem:$0x1E780] =	vst v63  }
0x154: {  	v2 =	vld [tilespmem:s23+$0x20]  }
0x155: {  	v3 =	vld [tilespmem:s23+$0x30]  }
0x156: {  	v4 =	vld [tilespmem:s23+$0xFFFFFFD0]  }
0x157: {  	v5 =	vld [tilespmem:s23+$0xFFFFFFE0]  }
0x158: {  	v6 =	vld [tilespmem:s23+$0xFFFFFFF0]  }
0x159: {  	v7 =	vld [tilespmem:s23+$0x0]  }
0x15a: {  	v8 =	vld [tilespmem:s23+$0x10]  }
0x15b: {  	s13 =	simm.s32 $0x18720;
	v9 =	vld [tilespmem:s23+$0xFFFFFFC0]  }
0x15c: {  	s25 =	simm.s32 $0x1A940;
	v10 =	vld [tilespmem:s13+$0x10]  }
0x15d: {  	v11 =	vld [tilespmem:s25+$0x20];
	v2 =	vadd.s32 $0xFFFF3C00, v2  }
0x15e: {  	v12 =	vld [tilespmem:s25+$0x30];
	v3 =	vadd.s32 $0xFFFF3C00, v3;
	vm6 =	vlt.u32 v2, $0xC2A0  }
0x15f: {  	v13 =	vld [tilespmem:s25+$0xFFFFFFD0];
	v4 =	vadd.s32 $0xFFFF3C00, v4;
	vm7 =	vlt.u32 v3, $0xC2A0  }
0x160: {  	v14 =	vld [tilespmem:s25+$0xFFFFFFE0];
	v5 =	vadd.s32 $0xFFFF3C00, v5;
	vm0 =	vlt.u32 v4, $0xC2A0  }
0x161: {  	v16 =	vld [tilespmem:s25+$0xFFFFFFF0];
	v6 =	vadd.s32 $0xFFFF3C00, v6;
	vm1 =	vlt.u32 v5, $0xC2A0  }
0x162: {  	v17 =	vld [tilespmem:s25+$0x0];
	v7 =	vadd.s32 $0xFFFF3C00, v7;
	vm2 =	vlt.u32 v6, $0xC2A0  }
0x163: {  	v18 =	vld [tilespmem:s25+$0x10];
	v8 =	vadd.s32 $0xFFFF3C00, v8;
	vm3 =	vlt.u32 v7, $0xC2A0  }
0x164: {  	v9 =	vadd.s32 $0xFFFF3C00, v9;
	vm4 =	vlt.u32 v8, $0xC2A0;
	v2 =	vld.idx.msk [tilespmem:v2+s30+$0x0], vm6  }
0x165: {  	vm5 =	vlt.u32 v9, $0xC2A0;
	v3 =	vld.idx.msk [tilespmem:v3+s30+$0x0], vm7  }
0x166: {  	v4 =	vld.idx.msk [tilespmem:v4+s30+$0x0], vm0  }
0x167: {  	v5 =	vld.idx.msk [tilespmem:v5+s30+$0x0], vm1  }
0x168: {  	v6 =	vld.idx.msk [tilespmem:v6+s30+$0x0], vm2  }
0x169: {  	v15 =	vunpack.i.u.bf16.f32 v10;
	v10 =	vunpack.i.l.bf16.f32 v10;
	v7 =	vld.idx.msk [tilespmem:v7+s30+$0x0], vm3  }
0x16a: {  	v11 =	vadd.s32 $0xFFFF3C00, v11;
	v12 =	vadd.s32 $0xFFFF3C00, v12;
	v13 =	vadd.s32 $0xFFFF3C00, v13;
	v8 =	vld.idx.msk [tilespmem:v8+s30+$0x0], vm4  }
0x16b: {  	v14 =	vadd.s32 $0xFFFF3C00, v14;
	v9 =	vld.idx.msk [tilespmem:v9+s30+$0x0], vm5;
	v2 =	vnsel vm6, $0x0, v2;
	vm6 =	vlt.u32 v11, $0xC2A0  }
0x16c: {  	v3 =	vnsel vm7, $0x0, v3;
	vm7 =	vlt.u32 v12, $0xC2A0;
	v2 =	vadd.f32 v10, v2;
	v10 =	vld [tilespmem:s25+$0xFFFFFFC0]  }
0x16d: {  	v4 =	vnsel vm0, $0x0, v4;
	vm0 =	vlt.u32 v13, $0xC2A0;
	v3 =	vadd.f32 v15, v3;
	v15 =	vld [tilespmem:s13+$0xFFFFFFE0]  }
0x16e: {  	v19 =	vld [tilespmem:s13+$0xFFFFFFF0];
	v16 =	vadd.s32 $0xFFFF3C00, v16;
	v5 =	vnsel vm1, $0x0, v5;
	vm1 =	vlt.u32 v14, $0xC2A0  }
0x16f: {  	s14 =	simm.s32 $0x18760;
	v20 =	vld [tilespmem:s13+$0x0];
	v17 =	vadd.s32 $0xFFFF3C00, v17;
	v6 =	vnsel vm2, $0x0, v6;
	vm2 =	vlt.u32 v16, $0xC2A0  }
0x170: {  	v21 =	vld [tilespmem:s14+$0x10];
	v18 =	vadd.s32 $0xFFFF3C00, v18;
	v7 =	vnsel vm3, $0x0, v7;
	vm3 =	vlt.u32 v17, $0xC2A0  }
0x171: {  	v22 =	vnsel vm4, $0x0, v8;
	vm4 =	vlt.u32 v18, $0xC2A0;
	v23 =	vadd.s32 $0xFFFF3C00, v10;
	v11 =	vld.idx.msk [tilespmem:v11+s30+$0x0], vm6  }
0x172: {  	v8 =	vnsel vm5, $0x0, v9;
	v12 =	vld.idx.msk [tilespmem:v12+s30+$0x0], vm7;
	v9 =	vunpack.i.l.bf16.f32 v15;
	vm5 =	vlt.u32 v23, $0xC2A0  }
0x173: {  	v10 =	vpack.i.f32.bf16 v3, v2;
	v3 =	vunpack.i.u.bf16.f32 v15;
	v2 =	vld.idx.msk [tilespmem:v13+s30+$0x0], vm0;
	v13 =	vunpack.i.u.bf16.f32 v19  }
0x174: {  	v8 =	vadd.f32 v9, v8;
	v9 =	vadd.f32 v3, v4;
	v4 =	vunpack.i.l.bf16.f32 v19;
	v3 =	vld.idx.msk [tilespmem:v14+s30+$0x0], vm1  }
0x175: {  	v15 =	vunpack.i.l.bf16.f32 v20;
	v13 =	vadd.f32 v13, v6;
	v14 =	vadd.f32 v4, v5;
	v4 =	vld.idx.msk [tilespmem:v16+s30+$0x0], vm2  }
0x176: {  	[tilespmem:s13+$0x10] =	vst v10;
	v6 =	vunpack.i.u.bf16.f32 v20;
	v5 =	vld.idx.msk [tilespmem:v17+s30+$0x0], vm3;
	v63 =	vpack.i.f32.bf16 v9, v8;
	v8 =	vadd.f32 v15, v7  }
0x177: {  	v10 =	vunpack.i.u.bf16.f32 v21;
	v9 =	vadd.f32 v6, v22;
	v6 =	vld.idx.msk [tilespmem:v18+s30+$0x0], vm4;
	[tilespmem:s13+$0xFFFFFFE0] =	vst v63;
	v14 =	vpack.i.f32.bf16 v13, v14  }
0x178: {  	s16 =	simm.s32 $0x4;
	s17 =	simm.s32 $0x1AB40;
	v13 =	vunpack.i.l.bf16.f32 v21;
	v11 =	vnsel vm6, $0x0, v11;
	v12 =	vnsel vm7, $0x0, v12;
	[tilespmem:s13+$0xFFFFFFF0] =	vst v14;
	v7 =	vld.idx.msk [tilespmem:v23+s30+$0x0], vm5  }
.LBB2_21:
0x179: {  	v14 =	vld [tilespmem:s17+$0x20];
	v15 =	vnsel vm0, $0x0, v2;
	v2 =	vadd.f32 v13, v11;
	v10 =	vadd.f32 v10, v12  }
0x17a: {  	s16 =	sadd.s32 $0x4, s16;
	v12 =	vnsel vm1, $0x0, v3;
	v3 =	vpack.i.f32.bf16 v9, v8;
	v11 =	vld [tilespmem:s17+$0x30]  }
0x17b: {  	p1 =	slt.u32 s16, $0x7C;
	v9 =	vnsel vm2, $0x0, v4;
	v8 =	vld [tilespmem:s17+$0xFFFFFFD0];
	v2 =	vpack.i.f32.bf16 v10, v2;
	[tilespmem:s13+$0x0] =	vst v3;
	s13 =	smov.u32 s14  }
0x17c: {  	v10 =	vnsel vm3, $0x0, v5;
	v3 =	vld [tilespmem:s17+$0xFFFFFFE0];
	[tilespmem:s14+$0x10] =	vst v2  }
0x17d: {  	v6 =	vnsel vm4, $0x0, v6;
	v2 =	vld [tilespmem:s17+$0xFFFFFFF0]  }
0x17e: {  	v7 =	vnsel vm5, $0x0, v7;
	v4 =	vld [tilespmem:s17+$0x0];
	v5 =	vadd.s32 $0xFFFF3C00, v14  }
0x17f: {  	v13 =	vld [tilespmem:s17+$0x10];
	v11 =	vadd.s32 $0xFFFF3C00, v11;
	vm6 =	vlt.u32 v5, $0xC2A0  }
0x180: {  	v14 =	vld [tilespmem:s17+$0xFFFFFFC0];
	v8 =	vadd.s32 $0xFFFF3C00, v8;
	vm7 =	vlt.u32 v11, $0xC2A0  }
0x181: {  	vm0 =	vlt.u32 v8, $0xC2A0;
	v3 =	vadd.s32 $0xFFFF3C00, v3;
	v16 =	vld [tilespmem:s14+$0xFFFFFFE0]  }
0x182: {  	v17 =	vadd.s32 $0xFFFF3C00, v2;
	vm1 =	vlt.u32 v3, $0xC2A0;
	v18 =	vld [tilespmem:s14+$0xFFFFFFF0]  }
0x183: {  	s14 =	sadd.s32 $0x40, s14;
	vm2 =	vlt.u32 v17, $0xC2A0;
	v19 =	vadd.s32 $0xFFFF3C00, v4;
	v4 =	vld [tilespmem:s13+$0x0]  }
0x184: {  	v13 =	vadd.s32 $0xFFFF3C00, v13;
	vm3 =	vlt.u32 v19, $0xC2A0;
	v20 =	vld [tilespmem:s14+$0x10]  }
0x185: {  	v14 =	vadd.s32 $0xFFFF3C00, v14;
	vm4 =	vlt.u32 v13, $0xC2A0;
	v21 =	vld.idx.msk [tilespmem:v5+s30+$0x0], vm6  }
0x186: {  	vm5 =	vlt.u32 v14, $0xC2A0;
	v22 =	vld.idx.msk [tilespmem:v11+s30+$0x0], vm7;
	v5 =	vunpack.i.u.bf16.f32 v16;
	v11 =	vunpack.i.l.bf16.f32 v16  }
0x187: {  	v2 =	vld.idx.msk [tilespmem:v8+s30+$0x0], vm0;
	v7 =	vadd.f32 v11, v7;
	v8 =	vunpack.i.u.bf16.f32 v18;
	v11 =	vunpack.i.l.bf16.f32 v18  }
.Ltmp9:
0x188: {  	v15 =	vadd.f32 v5, v15;
	v3 =	vld.idx.msk [tilespmem:v3+s30+$0x0], vm1;
	v16 =	vunpack.i.u.bf16.f32 v4;
	v18 =	vunpack.i.l.bf16.f32 v4;
	(pc) =	sbr.rel @p1 .LBB2_21-.Ltmp9, $4  }
0x189: {  	v11 =	vadd.f32 v11, v12;
	v12 =	vadd.f32 v8, v9;
	v4 =	vld.idx.msk [tilespmem:v17+s30+$0x0], vm2  }
0x18a: {  	v7 =	vpack.i.f32.bf16 v15, v7;
	v8 =	vadd.f32 v18, v10;
	v9 =	vadd.f32 v16, v6;
	v5 =	vld.idx.msk [tilespmem:v19+s30+$0x0], vm3  }
0x18b: {  	v10 =	vunpack.i.u.bf16.f32 v20;
	v15 =	vpack.i.f32.bf16 v12, v11;
	v6 =	vld.idx.msk [tilespmem:v13+s30+$0x0], vm4;
	[tilespmem:s13+$0xFFFFFFE0] =	vst v7  }
0x18c: {  	s17 =	sadd.s32 $0x200, s17;
	v11 =	vnsel vm6, $0x0, v21;
	v12 =	vnsel vm7, $0x0, v22;
	v13 =	vunpack.i.l.bf16.f32 v20;
	v7 =	vld.idx.msk [tilespmem:v14+s30+$0x0], vm5;
	[tilespmem:s13+$0xFFFFFFF0] =	vst v15  }
0x18d: {  	v14 =	vld [tilespmem:s14+$0xFFFFFFE0]  }
0x18e: {  	v15 =	vld [tilespmem:s14+$0xFFFFFFF0]  }
0x18f: {  	v11 =	vadd.f32 v13, v11;
	v10 =	vadd.f32 v10, v12;
	v56 =	vld [tilespmem:s14+$0x0]  }
0x190: {  	v8 =	vpack.i.f32.bf16 v9, v8;
	v2 =	vnsel vm0, $0x0, v2;
	v3 =	vnsel vm1, $0x0, v3  }
0x191: {  	v4 =	vnsel vm2, $0x0, v4;
	v57 =	vpack.i.f32.bf16 v10, v11;
	v5 =	vnsel vm3, $0x0, v5  }
0x192: {  	v6 =	vnsel vm4, $0x0, v6;
	v7 =	vnsel vm5, $0x0, v7;
	v58 =	vunpack.i.l.bf16.f32 v14  }
0x193: {  	v59 =	vunpack.i.u.bf16.f32 v14;
	v60 =	vunpack.i.u.bf16.f32 v15;
	v61 =	vunpack.i.l.bf16.f32 v15  }
0x194: {  	v62 =	vunpack.i.u.bf16.f32 v56;
	v7 =	vadd.f32 v58, v7;
	v2 =	vadd.f32 v59, v2  }
.Ltmp10:
0x195: {  	[tilespmem:s13+$0x0] =	vst v8;
	v63 =	vunpack.i.l.bf16.f32 v56;
	v3 =	vadd.f32 v61, v3;
	v4 =	vadd.f32 v60, v4;
	(pc) =	sbr.rel @p0 .LBB2_26-.Ltmp10, $4  }
0x196: {  	[tilespmem:s14+$0x10] =	vst v57;
	v5 =	vadd.f32 v63, v5;
	v6 =	vadd.f32 v62, v6;
	v2 =	vpack.i.f32.bf16 v2, v7  }
0x197: {  	[tilespmem:s14+$0xFFFFFFE0] =	vst v2;
	v2 =	vpack.i.f32.bf16 v4, v3  }
0x198: {  	[tilespmem:s14+$0xFFFFFFF0] =	vst v2;
	v2 =	vpack.i.f32.bf16 v6, v5  }
0x199: {  	[tilespmem:s14+$0x0] =	vst v2  }
0x19a: {  	s13 =	sadd.s32 $0x1, s12  }
0x19b: {  	s14 =	sshll.u32 s13, $0x4  }
0x19c: {  	s13 =	sshll.u32 s13, $0xB;
	s14 =	sand.u32 $0x70, s14  }
0x19d: {  	s13 =	sand.u32 $0x1C000, s13;
	s14 =	sadd.s32 s3, s14  }
0x19e: {  	s16 =	simm.s32 $0x80;
	s13 =	sadd.s32 s13, s14  }
0x19f: {  	s17 =	simm.s32 $0x1A900;
	s14 =	simm.s32 $0x1A700;
	s22 =	sadd.s32 $0x0, s13  }
.LBB2_24:
0x1a0: {  	[tilespmem:s14], [sflag:$0x3] =	stream.linear.gather [hbm4b:s22+s5], $0x80, $0x38;
	[tilespmem:$0x1E780] =	vst v63  }
0x1a1: {  	s22 =	smov.u32 s16;
	s14 =	smov.u32 s17;
	p1 =	sne.s32 s16, $0xF80  }
.Ltmp11:
0x1a2: {  	s16 =	sadd.s32 $0x80, s16;
	(pc) =	sbr.rel @p1 .LBB2_24-.Ltmp11, $2  }
0x1a3: {  	_ =	sdelay $0x2  }
0x1a4: {  	s17 =	sadd.s32 $0x200, s17;
	s22 =	sadd.s32 s22, s13  }
0x1a5: {  	[tilespmem:s14], [sflag:$0x3] =	stream.linear.gather [hbm4b:s22+s5], $0x80, $0x38;
	[tilespmem:$0x1E780] =	vst v63  }
.LBB2_26:
0x1a6: {  	s13 =	simm.s32 $0x1A7F0  }
0x1a7: {  	v2 =	vld [tilespmem:s13+$0xFFFFFFF0]  }
0x1a8: {  	v3 =	vld [tilespmem:s13+$0x0]  }
0x1a9: {  	v4 =	vld [tilespmem:s13+$0xFFFFFFA0]  }
0x1aa: {  	v5 =	vld [tilespmem:s13+$0xFFFFFFB0]  }
0x1ab: {  	v6 =	vld [tilespmem:s13+$0xFFFFFFC0]  }
0x1ac: {  	v7 =	vld [tilespmem:s13+$0xFFFFFFD0];
	v8 =	vadd.s32 $0xFFFF3C00, v2  }
0x1ad: {  	v9 =	vld [tilespmem:s13+$0xFFFFFFE0];
	v3 =	vadd.s32 $0xFFFF3C00, v3;
	vm6 =	vlt.u32 v8, $0xC2A0  }
0x1ae: {  	v10 =	vld [tilespmem:s13+$0xFFFFFF90];
	v4 =	vadd.s32 $0xFFFF3C00, v4;
	vm7 =	vlt.u32 v3, $0xC2A0  }
0x1af: {  	v5 =	vadd.s32 $0xFFFF3C00, v5;
	vm0 =	vlt.u32 v4, $0xC2A0  }
0x1b0: {  	s16 =	simm.s32 $0x0;
	s14 =	simm.s32 $0x18F30;
	v6 =	vadd.s32 $0xFFFF3C00, v6;
	vm1 =	vlt.u32 v5, $0xC2A0  }
0x1b1: {  	s13 =	sand.u32 $0x7C0, s16;
	v13 =	vld [tilespmem:s14+$0x0];
	v7 =	vadd.s32 $0xFFFF3C00, v7;
	vm2 =	vlt.u32 v6, $0xC2A0  }
0x1b2: {  	v2 =	vld [tilespmem:s13+$0x18F00];
	v11 =	vadd.s32 $0xFFFF3C00, v9;
	vm3 =	vlt.u32 v7, $0xC2A0  }
0x1b3: {  	v12 =	vadd.s32 $0xFFFF3C00, v10;
	vm4 =	vlt.u32 v11, $0xC2A0;
	v14 =	vld.idx.msk [tilespmem:v8+s30+$0x0], vm6  }
0x1b4: {  	vm5 =	vlt.u32 v12, $0xC2A0;
	v15 =	vld.idx.msk [tilespmem:v3+s30+$0x0], vm7  }
0x1b5: {  	v8 =	vld.idx.msk [tilespmem:v4+s30+$0x0], vm0  }
0x1b6: {  	v5 =	vld.idx.msk [tilespmem:v5+s30+$0x0], vm1  }
0x1b7: {  	v6 =	vld.idx.msk [tilespmem:v6+s30+$0x0], vm2  }
0x1b8: {  	v3 =	vld.idx.msk [tilespmem:v7+s30+$0x0], vm3  }
0x1b9: {  	v10 =	vunpack.i.u.bf16.f32 v13;
	v13 =	vunpack.i.l.bf16.f32 v13;
	v4 =	vld.idx.msk [tilespmem:v11+s30+$0x0], vm4  }
0x1ba: {  	s22 =	simm.s32 $0x0;
	s23 =	simm.s32 $0x1A9F0;
	s17 =	simm.s32 $0x18F30;
	v9 =	vunpack.i.u.bf16.f32 v2;
	v7 =	vld.idx.msk [tilespmem:v12+s30+$0x0], vm5;
	v12 =	vnsel vm6, $0x0, v14;
	v11 =	vnsel vm7, $0x0, v15  }
.LBB2_27:
0x1bb: {  	v14 =	vld [tilespmem:s23+$0xFFFFFFF0];
	v8 =	vnsel vm0, $0x0, v8;
	v12 =	vadd.f32 v13, v12;
	v10 =	vadd.f32 v10, v11  }
0x1bc: {  	s22 =	sadd.s32 $0x4, s22;
	v5 =	vnsel vm1, $0x0, v5;
	v11 =	vld [tilespmem:s23+$0x0];
	v8 =	vadd.f32 v9, v8  }
0x1bd: {  	p1 =	slt.u32 s22, $0x7C;
	v6 =	vnsel vm2, $0x0, v6;
	v9 =	vld [tilespmem:s23+$0xFFFFFFA0];
	v10 =	vpack.i.f32.bf16 v10, v12  }
0x1be: {  	v3 =	vnsel vm3, $0x0, v3;
	v12 =	vld [tilespmem:s23+$0xFFFFFFB0];
	[tilespmem:s14+$0x0] =	vst v10  }
0x1bf: {  	v4 =	vnsel vm4, $0x0, v4;
	v10 =	vld [tilespmem:s23+$0xFFFFFFC0]  }
0x1c0: {  	v2 =	vunpack.i.l.bf16.f32 v2;
	v7 =	vnsel vm5, $0x0, v7;
	v13 =	vld [tilespmem:s23+$0xFFFFFFD0];
	v14 =	vadd.s32 $0xFFFF3C00, v14  }
0x1c1: {  	v2 =	vadd.f32 v2, v7;
	v15 =	vld [tilespmem:s23+$0xFFFFFFE0];
	v11 =	vadd.s32 $0xFFFF3C00, v11;
	vm6 =	vlt.u32 v14, $0xC2A0  }
0x1c2: {  	v7 =	vld [tilespmem:s23+$0xFFFFFF90];
	v9 =	vadd.s32 $0xFFFF3C00, v9;
	vm7 =	vlt.u32 v11, $0xC2A0  }
0x1c3: {  	s16 =	sadd.s32 $0x40, s16;
	v2 =	vpack.i.f32.bf16 v8, v2;
	vm0 =	vlt.u32 v9, $0xC2A0;
	v12 =	vadd.s32 $0xFFFF3C00, v12;
	v8 =	vld [tilespmem:s14+$0xFFFFFFE0]  }
0x1c4: {  	v10 =	vadd.s32 $0xFFFF3C00, v10;
	vm1 =	vlt.u32 v12, $0xC2A0;
	[tilespmem:s13+$0x18F00] =	vst v2;
	s13 =	sand.u32 $0x7C0, s16;
	v16 =	vld [tilespmem:s14+$0xFFFFFFF0]  }
0x1c5: {  	s14 =	sadd.s32 $0x40, s14;
	v2 =	vld [tilespmem:s13+$0x18F00];
	vm2 =	vlt.u32 v10, $0xC2A0;
	v13 =	vadd.s32 $0xFFFF3C00, v13  }
0x1c6: {  	v15 =	vadd.s32 $0xFFFF3C00, v15;
	vm3 =	vlt.u32 v13, $0xC2A0;
	v17 =	vld [tilespmem:s14+$0x0]  }
0x1c7: {  	v7 =	vadd.s32 $0xFFFF3C00, v7;
	vm4 =	vlt.u32 v15, $0xC2A0;
	v14 =	vld.idx.msk [tilespmem:v14+s30+$0x0], vm6  }
0x1c8: {  	vm5 =	vlt.u32 v7, $0xC2A0;
	v11 =	vld.idx.msk [tilespmem:v11+s30+$0x0], vm7;
	v18 =	vunpack.i.u.bf16.f32 v8;
	v19 =	vunpack.i.l.bf16.f32 v8  }
0x1c9: {  	v8 =	vld.idx.msk [tilespmem:v9+s30+$0x0], vm0;
	v9 =	vadd.f32 v19, v5;
	v19 =	vunpack.i.u.bf16.f32 v16;
	v16 =	vunpack.i.l.bf16.f32 v16  }
.Ltmp12:
0x1ca: {  	v5 =	vld.idx.msk [tilespmem:v12+s30+$0x0], vm1;
	v12 =	vadd.f32 v18, v6;
	v16 =	vadd.f32 v16, v3;
	(pc) =	sbr.rel @p1 .LBB2_27-.Ltmp12, $4  }
0x1cb: {  	v18 =	vadd.f32 v19, v4;
	v6 =	vld.idx.msk [tilespmem:v10+s30+$0x0], vm2  }
0x1cc: {  	v3 =	vld.idx.msk [tilespmem:v13+s30+$0x0], vm3;
	v12 =	vpack.i.f32.bf16 v12, v9  }
0x1cd: {  	v10 =	vunpack.i.u.bf16.f32 v17;
	v9 =	vunpack.i.u.bf16.f32 v2;
	v4 =	vld.idx.msk [tilespmem:v15+s30+$0x0], vm4;
	[tilespmem:s17+$0xFFFFFFE0] =	vst v12;
	v15 =	vpack.i.f32.bf16 v18, v16  }
0x1ce: {  	s23 =	sadd.s32 $0x200, s23;
	v13 =	vunpack.i.l.bf16.f32 v17;
	v12 =	vnsel vm6, $0x0, v14;
	v11 =	vnsel vm7, $0x0, v11;
	v7 =	vld.idx.msk [tilespmem:v7+s30+$0x0], vm5;
	[tilespmem:s17+$0xFFFFFFF0] =	vst v15;
	s17 =	smov.u32 s14  }
0x1cf: {  	v14 =	vld [tilespmem:s14+$0xFFFFFFE0]  }
0x1d0: {  	v59 =	vld [tilespmem:s14+$0xFFFFFFF0]  }
0x1d1: {  	v12 =	vadd.f32 v13, v12;
	v8 =	vnsel vm0, $0x0, v8;
	v10 =	vadd.f32 v10, v11  }
0x1d2: {  	v5 =	vnsel vm1, $0x0, v5;
	v2 =	vunpack.i.l.bf16.f32 v2;
	v8 =	vadd.f32 v9, v8  }
0x1d3: {  	v6 =	vnsel vm2, $0x0, v6;
	v60 =	vpack.i.f32.bf16 v10, v12;
	v3 =	vnsel vm3, $0x0, v3  }
0x1d4: {  	v4 =	vnsel vm4, $0x0, v4;
	v7 =	vnsel vm5, $0x0, v7;
	v61 =	vunpack.i.l.bf16.f32 v14  }
0x1d5: {  	v2 =	vadd.f32 v2, v7;
	v62 =	vunpack.i.u.bf16.f32 v14;
	v63 =	vunpack.i.u.bf16.f32 v59  }
.Ltmp13:
0x1d6: {  	v11 =	vunpack.i.l.bf16.f32 v59;
	v5 =	vadd.f32 v61, v5;
	v6 =	vadd.f32 v62, v6;
	(pc) =	sbr.rel @p0 .LBB2_32-.Ltmp13, $4  }
0x1d7: {  	[tilespmem:s14+$0x0] =	vst v60;
	v3 =	vadd.f32 v11, v3;
	v4 =	vadd.f32 v63, v4;
	v2 =	vpack.i.f32.bf16 v8, v2  }
0x1d8: {  	[tilespmem:s13+$0x18F00] =	vst v2;
	v2 =	vpack.i.f32.bf16 v6, v5  }
0x1d9: {  	[tilespmem:s17+$0xFFFFFFE0] =	vst v2;
	v2 =	vpack.i.f32.bf16 v4, v3  }
0x1da: {  	[tilespmem:s17+$0xFFFFFFF0] =	vst v2  }
0x1db: {  	s13 =	sadd.s32 $0x1, s12  }
0x1dc: {  	s14 =	sshll.u32 s13, $0xB;
	s13 =	sshll.u32 s13, $0x4  }
0x1dd: {  	s14 =	sand.u32 $0x1C000, s14;
	s13 =	sand.u32 $0x70, s13  }
0x1de: {  	s13 =	sor.u32 s13, s14  }
0x1df: {  	s16 =	simm.s32 $0x80;
	s13 =	sadd.s32 s13, s9  }
0x1e0: {  	s17 =	simm.s32 $0x1A980;
	s14 =	simm.s32 $0x1A780;
	s22 =	sadd.s32 $0x0, s13  }
.LBB2_30:
0x1e1: {  	[tilespmem:s14], [sflag:$0x3] =	stream.linear.gather [hbm4b:s22+s5], $0x80, $0x38;
	[tilespmem:$0x1E780] =	vst v63  }
0x1e2: {  	s22 =	smov.u32 s16;
	s14 =	smov.u32 s17;
	p1 =	sne.s32 s16, $0xF80  }
.Ltmp14:
0x1e3: {  	s16 =	sadd.s32 $0x80, s16;
	(pc) =	sbr.rel @p1 .LBB2_30-.Ltmp14, $2  }
0x1e4: {  	_ =	sdelay $0x2  }
0x1e5: {  	s17 =	sadd.s32 $0x200, s17;
	s22 =	sadd.s32 s22, s13  }
0x1e6: {  	[tilespmem:s14], [sflag:$0x3] =	stream.linear.gather [hbm4b:s22+s5], $0x80, $0x38;
	[tilespmem:$0x1E780] =	vst v63  }
.LBB2_32:
0x1e7: {  	s13 =	simm.s32 $0x1A870  }
0x1e8: {  	v2 =	vld [tilespmem:s13+$0xFFFFFFF0]  }
0x1e9: {  	v3 =	vld [tilespmem:s13+$0x0]  }
0x1ea: {  	v4 =	vld [tilespmem:s13+$0xFFFFFFA0]  }
0x1eb: {  	v5 =	vld [tilespmem:s13+$0xFFFFFFB0]  }
0x1ec: {  	v6 =	vld [tilespmem:s13+$0xFFFFFFC0]  }
0x1ed: {  	v7 =	vld [tilespmem:s13+$0xFFFFFFD0];
	v8 =	vadd.s32 $0xFFFF3C00, v2  }
0x1ee: {  	v9 =	vld [tilespmem:s13+$0xFFFFFFE0];
	v3 =	vadd.s32 $0xFFFF3C00, v3;
	vm6 =	vlt.u32 v8, $0xC2A0  }
0x1ef: {  	v10 =	vld [tilespmem:s13+$0xFFFFFF90];
	v4 =	vadd.s32 $0xFFFF3C00, v4;
	vm7 =	vlt.u32 v3, $0xC2A0  }
0x1f0: {  	v5 =	vadd.s32 $0xFFFF3C00, v5;
	vm0 =	vlt.u32 v4, $0xC2A0  }
0x1f1: {  	s16 =	simm.s32 $0x0;
	s14 =	simm.s32 $0x19730;
	v6 =	vadd.s32 $0xFFFF3C00, v6;
	vm1 =	vlt.u32 v5, $0xC2A0  }
0x1f2: {  	s13 =	sand.u32 $0x7C0, s16;
	v13 =	vld [tilespmem:s14+$0x0];
	v7 =	vadd.s32 $0xFFFF3C00, v7;
	vm2 =	vlt.u32 v6, $0xC2A0  }
0x1f3: {  	v2 =	vld [tilespmem:s13+$0x19700];
	v11 =	vadd.s32 $0xFFFF3C00, v9;
	vm3 =	vlt.u32 v7, $0xC2A0  }
0x1f4: {  	v12 =	vadd.s32 $0xFFFF3C00, v10;
	vm4 =	vlt.u32 v11, $0xC2A0;
	v14 =	vld.idx.msk [tilespmem:v8+s30+$0x0], vm6  }
0x1f5: {  	vm5 =	vlt.u32 v12, $0xC2A0;
	v15 =	vld.idx.msk [tilespmem:v3+s30+$0x0], vm7  }
0x1f6: {  	v8 =	vld.idx.msk [tilespmem:v4+s30+$0x0], vm0  }
0x1f7: {  	v5 =	vld.idx.msk [tilespmem:v5+s30+$0x0], vm1  }
0x1f8: {  	v6 =	vld.idx.msk [tilespmem:v6+s30+$0x0], vm2  }
0x1f9: {  	v3 =	vld.idx.msk [tilespmem:v7+s30+$0x0], vm3  }
0x1fa: {  	v10 =	vunpack.i.u.bf16.f32 v13;
	v13 =	vunpack.i.l.bf16.f32 v13;
	v4 =	vld.idx.msk [tilespmem:v11+s30+$0x0], vm4  }
0x1fb: {  	s22 =	simm.s32 $0x0;
	s23 =	simm.s32 $0x1AA70;
	s17 =	simm.s32 $0x19730;
	v9 =	vunpack.i.u.bf16.f32 v2;
	v7 =	vld.idx.msk [tilespmem:v12+s30+$0x0], vm5;
	v12 =	vnsel vm6, $0x0, v14;
	v11 =	vnsel vm7, $0x0, v15  }
.LBB2_33:
0x1fc: {  	v14 =	vld [tilespmem:s23+$0xFFFFFFF0];
	v8 =	vnsel vm0, $0x0, v8;
	v12 =	vadd.f32 v13, v12;
	v10 =	vadd.f32 v10, v11  }
0x1fd: {  	s22 =	sadd.s32 $0x4, s22;
	v5 =	vnsel vm1, $0x0, v5;
	v11 =	vld [tilespmem:s23+$0x0];
	v8 =	vadd.f32 v9, v8  }
0x1fe: {  	p1 =	slt.u32 s22, $0x7C;
	v6 =	vnsel vm2, $0x0, v6;
	v9 =	vld [tilespmem:s23+$0xFFFFFFA0];
	v10 =	vpack.i.f32.bf16 v10, v12  }
0x1ff: {  	v3 =	vnsel vm3, $0x0, v3;
	v12 =	vld [tilespmem:s23+$0xFFFFFFB0];
	[tilespmem:s14+$0x0] =	vst v10  }
0x200: {  	v4 =	vnsel vm4, $0x0, v4;
	v10 =	vld [tilespmem:s23+$0xFFFFFFC0]  }
0x201: {  	v2 =	vunpack.i.l.bf16.f32 v2;
	v7 =	vnsel vm5, $0x0, v7;
	v13 =	vld [tilespmem:s23+$0xFFFFFFD0];
	v14 =	vadd.s32 $0xFFFF3C00, v14  }
0x202: {  	v2 =	vadd.f32 v2, v7;
	v15 =	vld [tilespmem:s23+$0xFFFFFFE0];
	v11 =	vadd.s32 $0xFFFF3C00, v11;
	vm6 =	vlt.u32 v14, $0xC2A0  }
0x203: {  	v7 =	vld [tilespmem:s23+$0xFFFFFF90];
	v9 =	vadd.s32 $0xFFFF3C00, v9;
	vm7 =	vlt.u32 v11, $0xC2A0  }
0x204: {  	s16 =	sadd.s32 $0x40, s16;
	v2 =	vpack.i.f32.bf16 v8, v2;
	vm0 =	vlt.u32 v9, $0xC2A0;
	v12 =	vadd.s32 $0xFFFF3C00, v12;
	v8 =	vld [tilespmem:s14+$0xFFFFFFE0]  }
0x205: {  	v10 =	vadd.s32 $0xFFFF3C00, v10;
	vm1 =	vlt.u32 v12, $0xC2A0;
	[tilespmem:s13+$0x19700] =	vst v2;
	s13 =	sand.u32 $0x7C0, s16;
	v16 =	vld [tilespmem:s14+$0xFFFFFFF0]  }
0x206: {  	s14 =	sadd.s32 $0x40, s14;
	v2 =	vld [tilespmem:s13+$0x19700];
	vm2 =	vlt.u32 v10, $0xC2A0;
	v13 =	vadd.s32 $0xFFFF3C00, v13  }
0x207: {  	v15 =	vadd.s32 $0xFFFF3C00, v15;
	vm3 =	vlt.u32 v13, $0xC2A0;
	v17 =	vld [tilespmem:s14+$0x0]  }
0x208: {  	v7 =	vadd.s32 $0xFFFF3C00, v7;
	vm4 =	vlt.u32 v15, $0xC2A0;
	v14 =	vld.idx.msk [tilespmem:v14+s30+$0x0], vm6  }
0x209: {  	vm5 =	vlt.u32 v7, $0xC2A0;
	v11 =	vld.idx.msk [tilespmem:v11+s30+$0x0], vm7;
	v18 =	vunpack.i.u.bf16.f32 v8;
	v19 =	vunpack.i.l.bf16.f32 v8  }
0x20a: {  	v8 =	vld.idx.msk [tilespmem:v9+s30+$0x0], vm0;
	v9 =	vadd.f32 v19, v5;
	v19 =	vunpack.i.u.bf16.f32 v16;
	v16 =	vunpack.i.l.bf16.f32 v16  }
.Ltmp15:
0x20b: {  	v5 =	vld.idx.msk [tilespmem:v12+s30+$0x0], vm1;
	v12 =	vadd.f32 v18, v6;
	v16 =	vadd.f32 v16, v3;
	(pc) =	sbr.rel @p1 .LBB2_33-.Ltmp15, $4  }
0x20c: {  	v18 =	vadd.f32 v19, v4;
	v6 =	vld.idx.msk [tilespmem:v10+s30+$0x0], vm2  }
0x20d: {  	v3 =	vld.idx.msk [tilespmem:v13+s30+$0x0], vm3;
	v12 =	vpack.i.f32.bf16 v12, v9  }
0x20e: {  	v10 =	vunpack.i.u.bf16.f32 v17;
	v9 =	vunpack.i.u.bf16.f32 v2;
	v4 =	vld.idx.msk [tilespmem:v15+s30+$0x0], vm4;
	[tilespmem:s17+$0xFFFFFFE0] =	vst v12;
	v15 =	vpack.i.f32.bf16 v18, v16  }
0x20f: {  	s23 =	sadd.s32 $0x200, s23;
	v13 =	vunpack.i.l.bf16.f32 v17;
	v12 =	vnsel vm6, $0x0, v14;
	v11 =	vnsel vm7, $0x0, v11;
	v7 =	vld.idx.msk [tilespmem:v7+s30+$0x0], vm5;
	[tilespmem:s17+$0xFFFFFFF0] =	vst v15;
	s17 =	smov.u32 s14  }
0x210: {  	v14 =	vld [tilespmem:s14+$0xFFFFFFE0]  }
0x211: {  	v59 =	vld [tilespmem:s14+$0xFFFFFFF0]  }
0x212: {  	v12 =	vadd.f32 v13, v12;
	v8 =	vnsel vm0, $0x0, v8;
	v10 =	vadd.f32 v10, v11  }
0x213: {  	v5 =	vnsel vm1, $0x0, v5;
	v2 =	vunpack.i.l.bf16.f32 v2;
	v8 =	vadd.f32 v9, v8  }
0x214: {  	v6 =	vnsel vm2, $0x0, v6;
	v60 =	vpack.i.f32.bf16 v10, v12;
	v3 =	vnsel vm3, $0x0, v3  }
0x215: {  	v4 =	vnsel vm4, $0x0, v4;
	v7 =	vnsel vm5, $0x0, v7;
	v61 =	vunpack.i.l.bf16.f32 v14  }
0x216: {  	v2 =	vadd.f32 v2, v7;
	v62 =	vunpack.i.u.bf16.f32 v14;
	v63 =	vunpack.i.u.bf16.f32 v59  }
.Ltmp16:
0x217: {  	v11 =	vunpack.i.l.bf16.f32 v59;
	v5 =	vadd.f32 v61, v5;
	v6 =	vadd.f32 v62, v6;
	(pc) =	sbr.rel @p0 .LBB2_38-.Ltmp16, $4  }
0x218: {  	[tilespmem:s14+$0x0] =	vst v60;
	v3 =	vadd.f32 v11, v3;
	v4 =	vadd.f32 v63, v4;
	v2 =	vpack.i.f32.bf16 v8, v2  }
0x219: {  	[tilespmem:s13+$0x19700] =	vst v2;
	v2 =	vpack.i.f32.bf16 v6, v5  }
0x21a: {  	[tilespmem:s17+$0xFFFFFFE0] =	vst v2;
	v2 =	vpack.i.f32.bf16 v4, v3  }
0x21b: {  	[tilespmem:s17+$0xFFFFFFF0] =	vst v2  }
0x21c: {  	s13 =	sadd.s32 $0x1, s12  }
0x21d: {  	s14 =	sshll.u32 s13, $0xB;
	s13 =	sshll.u32 s13, $0x4  }
0x21e: {  	s14 =	sand.u32 $0x1C000, s14;
	s13 =	sand.u32 $0x70, s13  }
0x21f: {  	s13 =	sor.u32 s13, s14  }
0x220: {  	s16 =	simm.s32 $0x80;
	s13 =	sadd.s32 s13, s10  }
0x221: {  	s17 =	simm.s32 $0x1AA00;
	s14 =	simm.s32 $0x1A800;
	s22 =	sadd.s32 $0x0, s13  }
.LBB2_36:
0x222: {  	[tilespmem:s14], [sflag:$0x3] =	stream.linear.gather [hbm4b:s22+s5], $0x80, $0x38;
	[tilespmem:$0x1E780] =	vst v63  }
0x223: {  	s22 =	smov.u32 s16;
	s14 =	smov.u32 s17;
	p1 =	sne.s32 s16, $0xF80  }
.Ltmp17:
0x224: {  	s16 =	sadd.s32 $0x80, s16;
	(pc) =	sbr.rel @p1 .LBB2_36-.Ltmp17, $2  }
0x225: {  	_ =	sdelay $0x2  }
0x226: {  	s17 =	sadd.s32 $0x200, s17;
	s22 =	sadd.s32 s22, s13  }
0x227: {  	[tilespmem:s14], [sflag:$0x3] =	stream.linear.gather [hbm4b:s22+s5], $0x80, $0x38;
	[tilespmem:$0x1E780] =	vst v63  }
.LBB2_38:
0x228: {  	s13 =	simm.s32 $0x1A8F0  }
0x229: {  	v2 =	vld [tilespmem:s13+$0xFFFFFFF0]  }
0x22a: {  	v3 =	vld [tilespmem:s13+$0x0]  }
0x22b: {  	v4 =	vld [tilespmem:s13+$0xFFFFFFA0]  }
0x22c: {  	v5 =	vld [tilespmem:s13+$0xFFFFFFB0]  }
0x22d: {  	v6 =	vld [tilespmem:s13+$0xFFFFFFC0]  }
0x22e: {  	v7 =	vld [tilespmem:s13+$0xFFFFFFD0];
	v8 =	vadd.s32 $0xFFFF3C00, v2  }
0x22f: {  	v9 =	vld [tilespmem:s13+$0xFFFFFFE0];
	v3 =	vadd.s32 $0xFFFF3C00, v3;
	vm6 =	vlt.u32 v8, $0xC2A0  }
0x230: {  	v10 =	vld [tilespmem:s13+$0xFFFFFF90];
	v4 =	vadd.s32 $0xFFFF3C00, v4;
	vm7 =	vlt.u32 v3, $0xC2A0  }
0x231: {  	v5 =	vadd.s32 $0xFFFF3C00, v5;
	vm0 =	vlt.u32 v4, $0xC2A0  }
0x232: {  	s16 =	simm.s32 $0x0;
	s14 =	simm.s32 $0x19F30;
	v6 =	vadd.s32 $0xFFFF3C00, v6;
	vm1 =	vlt.u32 v5, $0xC2A0  }
0x233: {  	s13 =	sand.u32 $0x7C0, s16;
	v13 =	vld [tilespmem:s14+$0x0];
	v7 =	vadd.s32 $0xFFFF3C00, v7;
	vm2 =	vlt.u32 v6, $0xC2A0  }
0x234: {  	v2 =	vld [tilespmem:s13+$0x19F00];
	v11 =	vadd.s32 $0xFFFF3C00, v9;
	vm3 =	vlt.u32 v7, $0xC2A0  }
0x235: {  	v12 =	vadd.s32 $0xFFFF3C00, v10;
	vm4 =	vlt.u32 v11, $0xC2A0;
	v14 =	vld.idx.msk [tilespmem:v8+s30+$0x0], vm6  }
0x236: {  	vm5 =	vlt.u32 v12, $0xC2A0;
	v15 =	vld.idx.msk [tilespmem:v3+s30+$0x0], vm7  }
0x237: {  	v8 =	vld.idx.msk [tilespmem:v4+s30+$0x0], vm0  }
0x238: {  	v5 =	vld.idx.msk [tilespmem:v5+s30+$0x0], vm1  }
0x239: {  	v6 =	vld.idx.msk [tilespmem:v6+s30+$0x0], vm2  }
0x23a: {  	v3 =	vld.idx.msk [tilespmem:v7+s30+$0x0], vm3  }
0x23b: {  	v10 =	vunpack.i.u.bf16.f32 v13;
	v13 =	vunpack.i.l.bf16.f32 v13;
	v4 =	vld.idx.msk [tilespmem:v11+s30+$0x0], vm4  }
0x23c: {  	s22 =	simm.s32 $0x0;
	s23 =	simm.s32 $0x1AAF0;
	s17 =	simm.s32 $0x19F30;
	v9 =	vunpack.i.u.bf16.f32 v2;
	v7 =	vld.idx.msk [tilespmem:v12+s30+$0x0], vm5;
	v12 =	vnsel vm6, $0x0, v14;
	v11 =	vnsel vm7, $0x0, v15  }
.LBB2_39:
0x23d: {  	v14 =	vld [tilespmem:s23+$0xFFFFFFF0];
	v8 =	vnsel vm0, $0x0, v8;
	v12 =	vadd.f32 v13, v12;
	v10 =	vadd.f32 v10, v11  }
0x23e: {  	s22 =	sadd.s32 $0x4, s22;
	v5 =	vnsel vm1, $0x0, v5;
	v11 =	vld [tilespmem:s23+$0x0];
	v8 =	vadd.f32 v9, v8  }
0x23f: {  	p1 =	slt.u32 s22, $0x7C;
	v6 =	vnsel vm2, $0x0, v6;
	v9 =	vld [tilespmem:s23+$0xFFFFFFA0];
	v10 =	vpack.i.f32.bf16 v10, v12  }
0x240: {  	v3 =	vnsel vm3, $0x0, v3;
	v12 =	vld [tilespmem:s23+$0xFFFFFFB0];
	[tilespmem:s14+$0x0] =	vst v10  }
0x241: {  	v4 =	vnsel vm4, $0x0, v4;
	v10 =	vld [tilespmem:s23+$0xFFFFFFC0]  }
0x242: {  	v2 =	vunpack.i.l.bf16.f32 v2;
	v7 =	vnsel vm5, $0x0, v7;
	v13 =	vld [tilespmem:s23+$0xFFFFFFD0];
	v14 =	vadd.s32 $0xFFFF3C00, v14  }
0x243: {  	v2 =	vadd.f32 v2, v7;
	v15 =	vld [tilespmem:s23+$0xFFFFFFE0];
	v11 =	vadd.s32 $0xFFFF3C00, v11;
	vm6 =	vlt.u32 v14, $0xC2A0  }
0x244: {  	v7 =	vld [tilespmem:s23+$0xFFFFFF90];
	v9 =	vadd.s32 $0xFFFF3C00, v9;
	vm7 =	vlt.u32 v11, $0xC2A0  }
0x245: {  	s16 =	sadd.s32 $0x40, s16;
	v2 =	vpack.i.f32.bf16 v8, v2;
	vm0 =	vlt.u32 v9, $0xC2A0;
	v12 =	vadd.s32 $0xFFFF3C00, v12;
	v8 =	vld [tilespmem:s14+$0xFFFFFFE0]  }
0x246: {  	v10 =	vadd.s32 $0xFFFF3C00, v10;
	vm1 =	vlt.u32 v12, $0xC2A0;
	[tilespmem:s13+$0x19F00] =	vst v2;
	s13 =	sand.u32 $0x7C0, s16;
	v16 =	vld [tilespmem:s14+$0xFFFFFFF0]  }
0x247: {  	s14 =	sadd.s32 $0x40, s14;
	v2 =	vld [tilespmem:s13+$0x19F00];
	vm2 =	vlt.u32 v10, $0xC2A0;
	v13 =	vadd.s32 $0xFFFF3C00, v13  }
0x248: {  	v15 =	vadd.s32 $0xFFFF3C00, v15;
	vm3 =	vlt.u32 v13, $0xC2A0;
	v17 =	vld [tilespmem:s14+$0x0]  }
0x249: {  	v7 =	vadd.s32 $0xFFFF3C00, v7;
	vm4 =	vlt.u32 v15, $0xC2A0;
	v14 =	vld.idx.msk [tilespmem:v14+s30+$0x0], vm6  }
0x24a: {  	vm5 =	vlt.u32 v7, $0xC2A0;
	v11 =	vld.idx.msk [tilespmem:v11+s30+$0x0], vm7;
	v18 =	vunpack.i.u.bf16.f32 v8;
	v19 =	vunpack.i.l.bf16.f32 v8  }
0x24b: {  	v8 =	vld.idx.msk [tilespmem:v9+s30+$0x0], vm0;
	v9 =	vadd.f32 v19, v5;
	v19 =	vunpack.i.u.bf16.f32 v16;
	v16 =	vunpack.i.l.bf16.f32 v16  }
.Ltmp18:
0x24c: {  	v5 =	vld.idx.msk [tilespmem:v12+s30+$0x0], vm1;
	v12 =	vadd.f32 v18, v6;
	v16 =	vadd.f32 v16, v3;
	(pc) =	sbr.rel @p1 .LBB2_39-.Ltmp18, $4  }
0x24d: {  	v18 =	vadd.f32 v19, v4;
	v6 =	vld.idx.msk [tilespmem:v10+s30+$0x0], vm2  }
0x24e: {  	v3 =	vld.idx.msk [tilespmem:v13+s30+$0x0], vm3;
	v12 =	vpack.i.f32.bf16 v12, v9  }
0x24f: {  	v10 =	vunpack.i.u.bf16.f32 v17;
	v9 =	vunpack.i.u.bf16.f32 v2;
	v4 =	vld.idx.msk [tilespmem:v15+s30+$0x0], vm4;
	[tilespmem:s17+$0xFFFFFFE0] =	vst v12;
	v15 =	vpack.i.f32.bf16 v18, v16  }
0x250: {  	s23 =	sadd.s32 $0x200, s23;
	v13 =	vunpack.i.l.bf16.f32 v17;
	v12 =	vnsel vm6, $0x0, v14;
	v11 =	vnsel vm7, $0x0, v11;
	v7 =	vld.idx.msk [tilespmem:v7+s30+$0x0], vm5;
	[tilespmem:s17+$0xFFFFFFF0] =	vst v15;
	s17 =	smov.u32 s14  }
0x251: {  	v14 =	vld [tilespmem:s14+$0xFFFFFFE0]  }
0x252: {  	v59 =	vld [tilespmem:s14+$0xFFFFFFF0]  }
0x253: {  	v12 =	vadd.f32 v13, v12;
	v8 =	vnsel vm0, $0x0, v8;
	v10 =	vadd.f32 v10, v11  }
0x254: {  	v5 =	vnsel vm1, $0x0, v5;
	v2 =	vunpack.i.l.bf16.f32 v2;
	v8 =	vadd.f32 v9, v8  }
0x255: {  	v6 =	vnsel vm2, $0x0, v6;
	v60 =	vpack.i.f32.bf16 v10, v12;
	v3 =	vnsel vm3, $0x0, v3  }
0x256: {  	v4 =	vnsel vm4, $0x0, v4;
	v7 =	vnsel vm5, $0x0, v7;
	v61 =	vunpack.i.l.bf16.f32 v14  }
0x257: {  	v2 =	vadd.f32 v2, v7;
	v62 =	vunpack.i.u.bf16.f32 v14;
	v63 =	vunpack.i.u.bf16.f32 v59  }
.Ltmp19:
0x258: {  	v11 =	vunpack.i.l.bf16.f32 v59;
	v5 =	vadd.f32 v61, v5;
	v6 =	vadd.f32 v62, v6;
	(pc) =	sbr.rel @p0 .LBB2_44-.Ltmp19, $4  }
0x259: {  	[tilespmem:s14+$0x0] =	vst v60;
	v3 =	vadd.f32 v11, v3;
	v4 =	vadd.f32 v63, v4;
	v2 =	vpack.i.f32.bf16 v8, v2  }
0x25a: {  	[tilespmem:s13+$0x19F00] =	vst v2;
	v2 =	vpack.i.f32.bf16 v6, v5  }
0x25b: {  	[tilespmem:s17+$0xFFFFFFE0] =	vst v2;
	v2 =	vpack.i.f32.bf16 v4, v3  }
0x25c: {  	[tilespmem:s17+$0xFFFFFFF0] =	vst v2  }
0x25d: {  	s12 =	sadd.s32 $0x1, s12  }
0x25e: {  	s13 =	sshll.u32 s12, $0xB;
	s14 =	sshll.u32 s12, $0x4  }
0x25f: {  	s13 =	sand.u32 $0x1C000, s13;
	s14 =	sand.u32 $0x70, s14  }
0x260: {  	s13 =	sor.u32 s14, s13  }
0x261: {  	s16 =	simm.s32 $0x80;
	s13 =	sadd.s32 s13, s11  }
0x262: {  	s17 =	simm.s32 $0x1AA80;
	s14 =	simm.s32 $0x1A880;
	s22 =	sadd.s32 $0x0, s13  }
.LBB2_42:
0x263: {  	[tilespmem:s14], [sflag:$0x3] =	stream.linear.gather [hbm4b:s22+s5], $0x80, $0x38;
	[tilespmem:$0x1E780] =	vst v63  }
0x264: {  	s22 =	smov.u32 s16;
	s14 =	smov.u32 s17;
	p0 =	sne.s32 s16, $0xF80  }
.Ltmp20:
0x265: {  	s16 =	sadd.s32 $0x80, s16;
	(pc) =	sbr.rel @p0 .LBB2_42-.Ltmp20, $2  }
0x266: {  	_ =	sdelay $0x2  }
0x267: {  	s17 =	sadd.s32 $0x200, s17;
	s22 =	sadd.s32 s22, s13  }
0x268: {  	s13 =	smul.u32 $0x30E000, s12  }
0x269: {  	[tilespmem:s14], [sflag:$0x3] =	stream.linear.gather [hbm4b:s22+s5], $0x80, $0x38;
	[tilespmem:$0x1E780] =	vst v63  }
0x26a: {  	s13 =	sadd.s32 s6, s13  }
0x26b: {  	s23 =	sadd.s32 s19, s13  }
0x26c: {  	s13 =	sadd.s32 s20, s13;
	s14 =	sshrl.u32 s23, $0x3  }
0x26d: {  	s13 =	sshrl.u32 s13, $0x3;
	s14 =	sadd.s32 s1, s14  }
0x26e: {  	[tilespmem:s30], [sflag:$0x2] =	stream.strided.gather [hbm4b:s14+s26], $0x6180, s28, s26, $0x38;
	[tilespmem:$0x1E780] =	vst v63  }
0x26f: {  	p0 =	seq.s32 s12, $0x1A;
	s13 =	sadd.s32 s1, s13  }
0x270: {  	[tilespmem:s31], [sflag:$0x2] =	stream.strided.gather [hbm4b:s13+s26], $0x6100, s28, s26, $0x38;
	[tilespmem:$0x1E780] =	vst v63  }
.Ltmp21:
0x271: {  	s25 =	sshll.u32 s12, $0xC;
	(pc) =	sbr.rel @!p0 .LBB2_12-.Ltmp21, $4  }
0x272: {  	s13 =	sor.u32 s15, s25  }
0x273: {  	s13 =	sshrl.u32 s13, $0x3  }
0x274: {  	s13 =	sadd.s32 s2, s13  }
0x275: {  	[tilespmem:s0], [sflag:$0x2] =	stream.linear.gather [hbm4b:s13+s5], $0x80, $0x38;
	[tilespmem:$0x1E780] =	vst v63  }
.LBB2_44:
0x276: {  	s14 =	simm.s32 $0x18720  }
0x277: {  	v2 =	vld [tilespmem:s14+$0x10];
	_ =	sdelay $0x1  }
0x278: {  	v3 =	vld [tilespmem:s14+$0xFFFFFFE0]  }
0x279: {  	v4 =	vld [tilespmem:s14+$0xFFFFFFF0]  }
0x27a: {  	v1 =	vbroadcast v1, $0x0  }
0x27b: {  	s23 =	simm.s32 $0x18760;
	v6 =	vld [tilespmem:s14+$0x0];
	v5 =	vunpack.i.l.bf16.f32 v2  }
0x27c: {  	v7 =	vld [tilespmem:s23+$0x10];
	v2 =	vunpack.i.u.bf16.f32 v2;
	v5 =	vmul.f32 v5, v1  }
0x27d: {  	s13 =	simm.s32 $0x60;
	s12 =	simm.s32 $0x40;
	v8 =	vunpack.i.l.bf16.f32 v3;
	v2 =	vmul.f32 v2, v1  }
0x27e: {  	s13 =	sor.u32 $0x70, s13;
	v3 =	vunpack.i.u.bf16.f32 v3;
	[tilespmem:s12+$0x20] =	vst v5;
	v5 =	vmul.f32 v8, v1;
	v8 =	vunpack.i.l.bf16.f32 v4  }
0x27f: {  	v10 =	vld [tilespmem:s23+$0xFFFFFFF0];
	v3 =	vmul.f32 v3, v1;
	[tilespmem:s13+$0x0] =	vst v2;
	v8 =	vmul.f32 v8, v1  }
0x280: {  	v4 =	vunpack.i.u.bf16.f32 v4;
	v2 =	vld [tilespmem:s23+$0x0];
	[tilespmem:s12+$0xFFFFFFC0] =	vst v5;
	v5 =	vunpack.i.u.bf16.f32 v6;
	v6 =	vunpack.i.l.bf16.f32 v6  }
0x281: {  	v11 =	vmul.f32 v6, v1;
	v6 =	vunpack.i.l.bf16.f32 v7;
	[tilespmem:s12+$0xFFFFFFE0] =	vst v8;
	v8 =	vunpack.i.u.bf16.f32 v7;
	v7 =	vld [tilespmem:s23+$0xFFFFFFE0]  }
0x282: {  	s25 =	simm.s32 $0x20;
	v4 =	vmul.f32 v4, v1  }
0x283: {  	s22 =	sor.u32 $0x30, s25;
	[tilespmem:s12+$0xFFFFFFD0] =	vst v3  }
0x284: {  	s17 =	simm.s32 $0x40;
	s16 =	simm.s32 $0x4;
	s14 =	simm.s32 $0xE0;
	v3 =	vmul.f32 v5, v1;
	v5 =	vunpack.i.u.bf16.f32 v10;
	v9 =	vmul.f32 v6, v1;
	[tilespmem:s22+$0x0] =	vst v4  }
0x285: {  	s13 =	sor.u32 $0x50, s17;
	s17 =	simm.s32 $0x187A0;
	v6 =	vunpack.i.l.bf16.f32 v10;
	v8 =	vmul.f32 v8, v1;
	[tilespmem:s12+$0x0] =	vst v11;
	s12 =	simm.s32 $0xC0;
	v4 =	vunpack.i.u.bf16.f32 v2  }
.LBB2_45:
0x286: {  	v10 =	vld [tilespmem:s17+$0x10];
	v11 =	vunpack.i.u.bf16.f32 v7;
	v7 =	vunpack.i.l.bf16.f32 v7;
	s22 =	sadd.s32 $0xFFFFFFC0, s14;
	v12 =	vunpack.i.l.bf16.f32 v2;
	s23 =	sadd.s32 $0xFFFFFFE0, s14;
	[tilespmem:s12+$0x20] =	vst v9;
	s25 =	sor.u32 $0x70, s14  }
0x287: {  	s16 =	sadd.s32 $0x4, s16;
	v13 =	vld [tilespmem:s17+$0xFFFFFFF0];
	v9 =	vmul.f32 v7, v1;
	v11 =	vmul.f32 v11, v1;
	s22 =	sor.u32 $0x30, s22;
	s23 =	sor.u32 $0x50, s23;
	[tilespmem:s25+$0x0] =	vst v8  }
0x288: {  	v6 =	vmul.f32 v6, v1;
	p0 =	slt.u32 s16, $0x1FC;
	v8 =	vmul.f32 v5, v1;
	v2 =	vld [tilespmem:s17+$0x0];
	[tilespmem:s13+$0x0] =	vst v3;
	s13 =	smov.u32 s23  }
.Ltmp22:
0x289: {  	v12 =	vmul.f32 v12, v1;
	v3 =	vmul.f32 v4, v1;
	v7 =	vld [tilespmem:s17+$0xFFFFFFE0];
	[tilespmem:s12+$0xFFFFFFC0] =	vst v9;
	(pc) =	sbr.rel @p0 .LBB2_45-.Ltmp22, $4  }
0x28a: {  	[tilespmem:s12+$0xFFFFFFD0] =	vst v11  }
0x28b: {  	v4 =	vunpack.i.l.bf16.f32 v10;
	[tilespmem:s12+$0xFFFFFFE0] =	vst v6  }
0x28c: {  	v10 =	vunpack.i.u.bf16.f32 v10;
	v5 =	vunpack.i.u.bf16.f32 v13;
	v9 =	vmul.f32 v4, v1;
	[tilespmem:s22+$0x0] =	vst v8  }
0x28d: {  	s14 =	sadd.s32 $0x80, s14;
	s17 =	sadd.s32 $0x40, s17;
	v6 =	vunpack.i.l.bf16.f32 v13;
	v8 =	vmul.f32 v10, v1;
	v4 =	vunpack.i.u.bf16.f32 v2;
	[tilespmem:s12+$0x0] =	vst v12;
	s12 =	sadd.s32 $0x80, s12  }
0x28e: {  	[tilespmem:s12+$0x20] =	vst v9  }
0x28f: {  	v10 =	vunpack.i.l.bf16.f32 v7;
	s16 =	sor.u32 $0x70, s14;
	[tilespmem:s13+$0x0] =	vst v3;
	v3 =	vmul.f32 v6, v1  }
0x290: {  	v62 =	vunpack.i.u.bf16.f32 v7;
	v63 =	vmul.f32 v10, v1;
	[tilespmem:s16+$0x0] =	vst v8  }
0x291: {  	v7 =	vmul.f32 v62, v1;
	[tilespmem:s12+$0xFFFFFFE0] =	vst v3  }
0x292: {  	s17 =	sadd.s32 $0xFFFFFFC0, s14;
	v2 =	vunpack.i.l.bf16.f32 v2;
	v5 =	vmul.f32 v5, v1;
	[tilespmem:s12+$0xFFFFFFC0] =	vst v63  }
0x293: {  	s13 =	sor.u32 $0x30, s17;
	v2 =	vmul.f32 v2, v1;
	[tilespmem:s12+$0xFFFFFFD0] =	vst v7  }
0x294: {  	s22 =	sadd.s32 $0xFFFFFFE0, s14;
	v1 =	vmul.f32 v4, v1;
	[tilespmem:s13+$0x0] =	vst v5  }
0x295: {  	s23 =	sor.u32 $0x50, s22;
	[tilespmem:s12+$0x0] =	vst v2  }
0x296: {  	[tilespmem:s23+$0x0] =	vst v1  }
0x297: {  	s14 =	simm.s32 $0x4;
	s12 =	rddreg [dreg:$0xc]  }
0x298: {  	[hbm4b:s12+s26] =	stream.strided.scatter [tilespmem:s5], [sflag:$0x4], $0x4000, s28, s26, $0x38;
	[tilespmem:$0x1E780] =	vst v63  }
0x299: {  	_ =	swait.ge [sflag:s14], $0x4000  }
0x29a: {  	s8 =	sadd.s32 $0x1, s8;
	s25 =	rddreg [dreg:$0xd]  }
0x29b: {  	p0 =	sne.s32 s8, s25  }
.Ltmp23:
0x29c: {  	_ = 	snop;
	(pc) =	sbr.rel @p0 .LBB2_1-.Ltmp23, $3  }
0x29d: {  	_ =	sdelay $0x1  }
0x29e: {  	[sflag:s14] =	ssyncset.done $0x0  }
0x29f: {  	[sflag:s14] =	ssyncadd.s32 $0xFFFFC000  }
0x2a0: {  	_ =	sfence.sel $0x180000  }
0x2a1: {  	[bflag:$0x0] =	sbarrier.arrive $0xFFFF  }
0x2a2: {  	_ =	strace $0x90000047  }
0x2a3: {  	s0 =	stileid.u32;
	[bflag:$0x2] =	sbarrier.arrive $0xFFFF  }
0x2a4: {  	p0 =	sne.s32 s0, $0x0;
	s0 =	rddreg [dreg:$0x5]  }
0x2a5: {  	s0 =	sadd.s32 @!p0 $0x100000, s0  }
0x2a6: {  	[sflag:s0] =	ssyncadd.tile.s32 @!p0 $0x1;
	_ =	shalt  }
.Lfunc_end2:
_tile_overlayer_lowered:
.L_overlay_start_2:
0x2a7: {  	(tag) =	ssettag $0x2  }
0x2a8: {  	s0 =	rddreg [dreg:$0x0];
	s2 =	stileid.u32  }
0x2a9: {  	s1 =	rddreg [dreg:$0x1];
	p0 =	sne.s32 s2, $0x0  }
0x2aa: {  	s3 =	rddreg [dreg:$0x2];
	[bflag:$0x3] =	sbarrier.arrive $0xFFFF;
	s2 =	simm.s32 @!p0 $0x1C04  }
0x2ab: {  	[timem:s3], [sflag:s2] =	dma.local @!p0 [hbm:s0], s1  }
0x2ac: {  	s0 =	simm.s32 @!p0 $0x4  }
0x2ad: {  	_ =	swait.ge @!p0 [sflag:s0], s1  }
0x2ae: {  	s1 =	ssub.s32 @!p0 $0x0, s1;
	[sflag:s0] =	ssyncset.done @!p0 $0x0  }
0x2af: {  	[sflag:s0] =	ssyncadd.s32 @!p0 s1  }
0x2b0: {  	[bflag:$0x3] =	sbarrier.arrive $0xFFFF  }
0x2b1: {  	_ =	shalt  }

</sc_bundles>
